<compile_context>
chip_gen: v7x
topology: tpu7x:2x2x1
jax: 0.10.2.dev20260603
libtpu: 0.0.44.dev20260713+nightly
codegen_flags: <defaults>
</compile_context>

<pallas_src>
import functools

import jax
import jax.numpy as jnp
from jax import lax
from jax.experimental import pallas as pl
from jax.experimental.pallas import tpu as pltpu
from jax.experimental.pallas import tpu_sc as plsc

_BS, _K, _N, _T = 64, 16, 32768, 3
_L = 16
_NW = 32
_NSPLIT = 1
_BPC = _BS // _NSPLIT
_BPW = _BPC // _NW
_GROUP = 64
_CH = 32768
_NCH = _K * _N // _CH
_NG = _CH // (_GROUP * _L)
_NEG = float("-inf")


def _iota():
    return lax.iota(jnp.int32, _L)


def _sc_topk(joint_flat, tokens_flat):
    mesh = plsc.VectorSubcoreMesh(core_axis_name="c", subcore_axis_name="s")

    @functools.partial(
        pl.kernel,
        out_type=(
            jax.ShapeDtypeStruct((_BPC * _K * (_T + 1),), jnp.int32),
            jax.ShapeDtypeStruct((_BPC * _K,), jnp.float32),
        ),
        mesh=mesh,
        compiler_params=pltpu.CompilerParams(needs_layout_passes=False),
        scratch_types=[
            pltpu.VMEM((2 * _CH,), jnp.float32),
            pltpu.VMEM((_K * _T,), jnp.int32),
            pltpu.VMEM((_K * (_T + 1),), jnp.int32),
            pltpu.VMEM((_K,), jnp.float32),
            pltpu.SemaphoreType.DMA,
        ],
    )
    def run(jt_hbm, tok_hbm, otok_hbm, osc_hbm, lbuf, tbuf,
            obuf_t, obuf_s, sem):
        wid = lax.axis_index("s") * 2 + lax.axis_index("c")

        def batch_body(bi, _):
            b = wid * _BPW + bi
            base = b * _K * _N
            pltpu.sync_copy(tok_hbm.at[pl.ds(b * _K * _T, _K * _T)], tbuf)
            pltpu.async_copy(jt_hbm.at[pl.ds(base, _CH)],
                             lbuf.at[pl.ds(0, _CH)], sem)

            def chunk_body(ch, carry):
                cur = ch & 1
                loff = cur * _CH
                pltpu.make_async_copy(
                    jt_hbm.at[pl.ds(base + ch * _CH, _CH)],
                    lbuf.at[pl.ds(loff, _CH)], sem).wait()

                @pl.when(ch + 1 < _NCH)
                def _():
                    nxt = (ch + 1) & 1
                    pltpu.async_copy(
                        jt_hbm.at[pl.ds(base + (ch + 1) * _CH, _CH)],
                        lbuf.at[pl.ds(nxt * _CH, _CH)], sem)

                def group_body(g, carry2):
                    bv, bix, thr = carry2
                    p0 = g * (_GROUP * _L)
                    accm = lbuf[pl.ds(loff + p0, _L)]
                    for j in range(1, _GROUP):
                        accm = jnp.maximum(
                            accm, lbuf[pl.ds(loff + p0 + j * _L, _L)])

                    def slow(carry3):
                        def sub_body(s, carry4):
                            q0 = p0 + s * (8 * _L)
                            sacc = lbuf[pl.ds(loff + q0, _L)]
                            for j in range(1, 8):
                                sacc = jnp.maximum(
                                    sacc, lbuf[pl.ds(loff + q0 + j * _L, _L)])

                            def merge8(carry5):
                                def slow_body(j, carry6):
                                    bv5, bi5, _ = carry6
                                    p = q0 + j * _L
                                    c = lbuf[pl.ds(loff + p, _L)]
                                    ov = ch * _CH + p + _iota()
                                    tr = lax.shift_right_logical(ov, 18)
                                    ob = ov & (_K * _N // 2 - 1)
                                    tc = lax.shift_right_logical(ob, 10)
                                    r8 = lax.shift_right_logical(ob, 7) & 7
                                    cc = ob & 127
                                    idxv = ((((tr << 3) + r8) << 15)
                                            + (tc << 7) + cc)
                                    sk, si = plsc.sort_key_val(
                                        c, idxv, descending=False)
                                    rs = lax.rev(sk, (0,))
                                    ri = lax.rev(si, (0,))
                                    ge = bv5 >= rs
                                    nv = jnp.where(ge, bv5, rs)
                                    ni = jnp.where(ge, bi5, ri)
                                    nv, ni = plsc.sort_key_val(
                                        nv, ni, descending=False)
                                    nthr = jnp.broadcast_to(
                                        jnp.min(nv), (_L,))
                                    return (nv, ni, nthr)
                                return lax.fori_loop(0, 8, slow_body, carry5)

                            return lax.cond(jnp.any(sacc > carry4[2]),
                                            merge8, lambda c5: c5, carry4)
                        return lax.fori_loop(0, _GROUP // 8, sub_body, carry3)

                    return lax.cond(jnp.any(accm > thr), slow,
                                    lambda c3: c3, (bv, bix, thr))
                return lax.fori_loop(0, _NG, group_body, carry)

            init = (jnp.full((_L,), _NEG, jnp.float32),
                    jnp.zeros((_L,), jnp.int32),
                    jnp.full((_L,), _NEG, jnp.float32))
            best_v, best_i, _ = lax.fori_loop(0, _NCH, chunk_body, init)

            sd = lax.rev(best_v, (0,))
            fd = lax.rev(best_i, (0,))
            beam = lax.shift_right_logical(fd, 15)
            newtok = fd & (_N - 1)
            lanes = _iota()
            for t in range(_T):
                gt = plsc.load_gather(tbuf, [beam * _T + t])
                plsc.store_scatter(obuf_t, [lanes * (_T + 1) + t], gt)
            plsc.store_scatter(obuf_t, [lanes * (_T + 1) + _T], newtok)
            obuf_s[...] = sd
            pltpu.sync_copy(
                obuf_t, otok_hbm.at[pl.ds(b * _K * (_T + 1), _K * (_T + 1))])
            pltpu.sync_copy(obuf_s, osc_hbm.at[pl.ds(b * _K, _K)])
            return 0

        lax.fori_loop(0, _BPW, batch_body, 0)

    return run(joint_flat, tokens_flat)


def kernel(current_log_probs_extended, valid_mask, beam_tokens, beam_scores, k):
    del k
    l5 = current_log_probs_extended.reshape(
        _BS, 2, 8, 256, 128).transpose(0, 1, 3, 2, 4)
    m5 = valid_mask.reshape(_BS, 2, 8, 256, 128).transpose(0, 1, 3, 2, 4)
    s5 = beam_scores.reshape(_BS, 2, 8)[:, :, None, :, None]
    tk = beam_tokens.astype(jnp.int32)
    toks, scs = [], []
    for i in range(_NSPLIT):
        sl = slice(i * _BPC, (i + 1) * _BPC)
        joint = jnp.where(m5[sl], l5[sl] + s5[sl], _NEG).reshape(-1)
        otok, osc = _sc_topk(joint, tk[sl].reshape(-1))
        toks.append(otok.reshape(_BPC, _K, _T + 1))
        scs.append(osc.reshape(_BPC, _K))
    new_tokens = jnp.concatenate(toks, 0).astype(beam_tokens.dtype)
    return (new_tokens, jnp.concatenate(scs, 0))

# --- scband reference (transcript-rebuilt; emitter-appended) ---
"""Pipeline reference for scband-t54-rec-5875515261192 (READ-ONLY COPY).

The authoritative reference and input builder live on the scoring server;
editing this copy changes nothing except your own understanding.
"""

import jax, jax.numpy as jnp
import numpy as np

BS, K, N, T = 64, 16, 32768, 3


def setup_inputs(seed: int = 0) -> dict:
    key = jax.random.key(seed)
    k1, k2, k3, k4 = jax.random.split(key, 4)
    current_log_probs_extended = jax.random.normal(k1, (BS, K, N), dtype=jnp.float32)
    valid_mask = jax.random.randint(k2, (BS, K, N), 0, 2).astype(jnp.bool_)
    beam_tokens = jax.random.randint(k3, (BS, K, T), 0, N).astype(jnp.int64) if jax.config.jax_enable_x64 else jax.random.randint(k3, (BS, K, T), 0, N)
    beam_scores = jax.random.normal(k4, (BS, K), dtype=jnp.float32)
    return {
        "current_log_probs_extended": current_log_probs_extended,
        "valid_mask": valid_mask,
        "beam_tokens": beam_tokens,
        "beam_scores": beam_scores,
        "k": K,
    }


def reference(current_log_probs_extended, valid_mask, beam_tokens, beam_scores, k):
    # Faithful translation of _update_beams (masked top-k beam update)
    bs = current_log_probs_extended.shape[0]
    k_static = beam_scores.shape[1]
    # masked_fill(~valid_mask, -inf)
    valid_logits = jnp.where(valid_mask, current_log_probs_extended, -jnp.inf)
    # per-beam top-k over the codebook dimension
    topk_vals, topk_idx = jax.lax.top_k(valid_logits, k_static)  # [bs, K, k]
    # joint scores: beam_scores broadcast-added
    joint_scores = beam_scores[:, :, None] + topk_vals  # [bs, K, k]
    flat_scores = joint_scores.reshape(bs, -1)  # [bs, K*k]
    top_joint_vals, top_joint_idx = jax.lax.top_k(flat_scores, k_static)  # [bs, k]
    beam_idx = top_joint_idx // k
    token_idx = top_joint_idx % k
    # gather surviving beams' token histories
    gathered_tokens = jnp.take_along_axis(beam_tokens, beam_idx[:, :, None], axis=1)  # [bs, k, T]
    # new token per surviving beam: valid_topk.indices[b, beam_idx, token_idx]
    sel_idx = jnp.take_along_axis(topk_idx, beam_idx[:, :, None], axis=1)  # [bs, k, k]
    new_token = jnp.take_along_axis(sel_idx, token_idx[:, :, None], axis=2)[:, :, 0]  # [bs, k]
    new_beam_tokens = jnp.concatenate(
        [gathered_tokens, new_token[:, :, None].astype(gathered_tokens.dtype)], axis=-1
    )
    new_beam_scores = top_joint_vals
    return (new_beam_tokens, new_beam_scores)

if __name__ == "__main__":
    import jax
    _d = setup_inputs()
    print(jax.jit(kernel)(*tuple(_d.values())))

</pallas_src>

<mosaic_0001>
#map = affine_map<(d0, d1) -> (0)>
module attributes {stable_mosaic.version = 14 : i64} {
  func.func @run(%arg0: i32, %arg1: i32, %arg2: memref<33554432xf32, #tpu.memory_space<hbm>>, %arg3: memref<3072xi32, #tpu.memory_space<hbm>>, %arg4: memref<4096xi32, #tpu.memory_space<hbm>>, %arg5: memref<1024xf32, #tpu.memory_space<hbm>>, %arg6: memref<65536xf32, #tpu.memory_space<vmem>>, %arg7: memref<48xi32, #tpu.memory_space<vmem>>, %arg8: memref<64xi32, #tpu.memory_space<vmem>>, %arg9: memref<16xf32, #tpu.memory_space<vmem>>, %arg10: memref<!tpu.dma_semaphore, #tpu.memory_space<semaphore_mem>>) attributes {dimension_semantics = [#tpu.dimension_semantics<core_parallel>, #tpu.dimension_semantics<subcore_parallel>], iteration_bounds = array<i64: 2, 16>, scalar_prefetch = 0 : i64, scratch_operands = 5 : i64, tpu.core_type = #tpu.core_type<sc_vector_subcore>, window_params = [{transform_indices = #map}, {transform_indices = #map}, {transform_indices = #map}, {transform_indices = #map}]} {
    %mul3A = arith.constant 2 : i32
    %mul3A_0 = arith.muli %arg1, %mul3A : i32
    %add3A = arith.addi %mul3A_0, %arg0 : i32
    %scan3A = arith.constant 0 : i32
    %scan3A_1 = arith.constant 0 : i32
    %scan3A_2 = arith.constant 2 : i32
    %scan3A_3 = arith.addi %scan3A_1, %scan3A_2 : i32
    %scan3A_4 = arith.constant 1 : i32
    %scan3A_5 = scf.for %scan3A_7 = %scan3A_1 to %scan3A_3 step %scan3A_4 iter_args(%scan3A_8 = %scan3A) -> (i32)  : i32 {
      %mul3A_9 = arith.constant 2 : i32
      %mul3A_10 = arith.muli %add3A, %mul3A_9 : i32
      %add3A_11 = arith.addi %mul3A_10, %scan3A_7 : i32
      %mul3A_12 = arith.constant 16 : i32
      %mul3A_13 = arith.muli %add3A_11, %mul3A_12 : i32
      %mul3A_14 = arith.constant 32768 : i32
      %mul3A_15 = arith.muli %mul3A_13, %mul3A_14 : i32
      %mul3A_16 = arith.constant 16 : i32
      %mul3A_17 = arith.muli %add3A_11, %mul3A_16 : i32
      %mul3A_18 = arith.constant 3 : i32
      %mul3A_19 = arith.muli %mul3A_17, %mul3A_18 : i32
      "tpu.region"() ({
        %run_scoped3A = tpu.sem_alloc : memref<!tpu.dma_semaphore, #tpu.memory_space<semaphore_mem>>
        %dma_start3A_101 = tpu.memref_slice %arg3[%mul3A_19] : memref<3072xi32, #tpu.memory_space<hbm>> -> memref<48xi32, #tpu.memory_space<hbm>>
        %dma_start3A_102 = tpu.memref_slice %arg3[%mul3A_19] : memref<3072xi32, #tpu.memory_space<hbm>> -> memref<48xi32, #tpu.memory_space<hbm>>
        tpu.enqueue_dma source(%dma_start3A_102 : memref<48xi32, #tpu.memory_space<hbm>>) target(%arg7 : memref<48xi32, #tpu.memory_space<vmem>>) target_semaphore(%run_scoped3A : memref<!tpu.dma_semaphore, #tpu.memory_space<semaphore_mem>>)
        %dma_wait3A = tpu.memref_slice %arg3[%mul3A_19] : memref<3072xi32, #tpu.memory_space<hbm>> -> memref<48xi32, #tpu.memory_space<hbm>>
        %dma_wait3A_103 = tpu.memref_slice %arg3[%mul3A_19] : memref<3072xi32, #tpu.memory_space<hbm>> -> memref<48xi32, #tpu.memory_space<hbm>>
        tpu.wait_dma2 semaphore(%run_scoped3A : memref<!tpu.dma_semaphore, #tpu.memory_space<semaphore_mem>>) src(%dma_wait3A_103 : memref<48xi32, #tpu.memory_space<hbm>>) dst(%arg7 : memref<48xi32, #tpu.memory_space<vmem>>)
        tpu.yield
      }) : () -> ()
      %dma_start3A = arith.constant 0 : i32
      %dma_start3A_20 = tpu.memref_slice %arg6[%dma_start3A] : memref<65536xf32, #tpu.memory_space<vmem>> -> memref<32768xf32, #tpu.memory_space<vmem>>
      %dma_start3A_21 = tpu.memref_slice %arg2[%mul3A_15] : memref<33554432xf32, #tpu.memory_space<hbm>> -> memref<32768xf32, #tpu.memory_space<hbm>>
      %dma_start3A_22 = arith.constant 0 : i32
      %dma_start3A_23 = tpu.memref_slice %arg6[%dma_start3A_22] : memref<65536xf32, #tpu.memory_space<vmem>> -> memref<32768xf32, #tpu.memory_space<vmem>>
      %dma_start3A_24 = tpu.memref_slice %arg2[%mul3A_15] : memref<33554432xf32, #tpu.memory_space<hbm>> -> memref<32768xf32, #tpu.memory_space<hbm>>
      tpu.enqueue_dma source(%dma_start3A_24 : memref<32768xf32, #tpu.memory_space<hbm>>) target(%dma_start3A_23 : memref<32768xf32, #tpu.memory_space<vmem>>) target_semaphore(%arg10 : memref<!tpu.dma_semaphore, #tpu.memory_space<semaphore_mem>>)
      %broadcast_in_dim3A = arith.constant 0xFF800000 : f32
      %broadcast_in_dim3A_25 = vector.broadcast %broadcast_in_dim3A : f32 to vector<16xf32>
      %broadcast_in_dim3A_26 = arith.constant 0 : i32
      %broadcast_in_dim3A_27 = vector.broadcast %broadcast_in_dim3A_26 : i32 to vector<16xi32>
      %broadcast_in_dim3A_28 = arith.constant 0xFF800000 : f32
      %broadcast_in_dim3A_29 = vector.broadcast %broadcast_in_dim3A_28 : f32 to vector<16xf32>
      %scan3A_30 = arith.constant 0 : i32
      %scan3A_31 = arith.constant 16 : i32
      %scan3A_32 = arith.addi %scan3A_30, %scan3A_31 : i32
      %scan3A_33 = arith.constant 1 : i32
      %scan3A_34:3 = scf.for %scan3A_101 = %scan3A_30 to %scan3A_32 step %scan3A_33 iter_args(%scan3A_102 = %broadcast_in_dim3A_25, %scan3A_103 = %broadcast_in_dim3A_27, %scan3A_104 = %broadcast_in_dim3A_29) -> (vector<16xf32>, vector<16xi32>, vector<16xf32>)  : i32 {
        %and3A_105 = arith.constant 1 : i32
        %and3A_106 = arith.andi %scan3A_101, %and3A_105 : i32
        %mul3A_107 = arith.constant 32768 : i32
        %mul3A_108 = arith.muli %and3A_106, %mul3A_107 : i32
        %mul3A_109 = arith.constant 32768 : i32
        %mul3A_110 = arith.muli %scan3A_101, %mul3A_109 : i32
        %add3A_111 = arith.addi %mul3A_15, %mul3A_110 : i32
        %dma_wait3A = tpu.memref_slice %arg6[%mul3A_108] : memref<65536xf32, #tpu.memory_space<vmem>> -> memref<32768xf32, #tpu.memory_space<vmem>>
        %dma_wait3A_112 = tpu.memref_slice %arg2[%add3A_111] : memref<33554432xf32, #tpu.memory_space<hbm>> -> memref<32768xf32, #tpu.memory_space<hbm>>
        %dma_wait3A_113 = tpu.memref_slice %arg6[%mul3A_108] : memref<65536xf32, #tpu.memory_space<vmem>> -> memref<32768xf32, #tpu.memory_space<vmem>>
        %dma_wait3A_114 = tpu.memref_slice %arg2[%add3A_111] : memref<33554432xf32, #tpu.memory_space<hbm>> -> memref<32768xf32, #tpu.memory_space<hbm>>
        tpu.wait_dma2 semaphore(%arg10 : memref<!tpu.dma_semaphore, #tpu.memory_space<semaphore_mem>>) src(%dma_wait3A_114 : memref<32768xf32, #tpu.memory_space<hbm>>) dst(%dma_wait3A_113 : memref<32768xf32, #tpu.memory_space<vmem>>)
        %add3A_115 = arith.constant 1 : i32
        %add3A_116 = arith.addi %scan3A_101, %add3A_115 : i32
        %lt3A = arith.constant 16 : i32
        %lt3A_117 = arith.cmpi slt, %add3A_116, %lt3A : i32
        %convert_element_type3A = arith.extui %lt3A_117 : i1 to i32
        %cond3A = arith.constant 0 : i32
        %cond3A_118 = arith.cmpi ne, %convert_element_type3A, %cond3A : i32
        scf.if %cond3A_118 {
          %add3A_125 = arith.constant 1 : i32
          %add3A_126 = arith.addi %scan3A_101, %add3A_125 : i32
          %and3A_127 = arith.constant 1 : i32
          %and3A_128 = arith.andi %add3A_126, %and3A_127 : i32
          %add3A_129 = arith.constant 1 : i32
          %add3A_130 = arith.addi %scan3A_101, %add3A_129 : i32
          %mul3A_131 = arith.constant 32768 : i32
          %mul3A_132 = arith.muli %add3A_130, %mul3A_131 : i32
          %add3A_133 = arith.addi %mul3A_15, %mul3A_132 : i32
          %mul3A_134 = arith.constant 32768 : i32
          %mul3A_135 = arith.muli %and3A_128, %mul3A_134 : i32
          %dma_start3A_136 = tpu.memref_slice %arg6[%mul3A_135] : memref<65536xf32, #tpu.memory_space<vmem>> -> memref<32768xf32, #tpu.memory_space<vmem>>
          %dma_start3A_137 = tpu.memref_slice %arg2[%add3A_133] : memref<33554432xf32, #tpu.memory_space<hbm>> -> memref<32768xf32, #tpu.memory_space<hbm>>
          %dma_start3A_138 = tpu.memref_slice %arg6[%mul3A_135] : memref<65536xf32, #tpu.memory_space<vmem>> -> memref<32768xf32, #tpu.memory_space<vmem>>
          %dma_start3A_139 = tpu.memref_slice %arg2[%add3A_133] : memref<33554432xf32, #tpu.memory_space<hbm>> -> memref<32768xf32, #tpu.memory_space<hbm>>
          tpu.enqueue_dma source(%dma_start3A_139 : memref<32768xf32, #tpu.memory_space<hbm>>) target(%dma_start3A_138 : memref<32768xf32, #tpu.memory_space<vmem>>) target_semaphore(%arg10 : memref<!tpu.dma_semaphore, #tpu.memory_space<semaphore_mem>>)
        } else {
        }
        %scan3A_119 = arith.constant 0 : i32
        %scan3A_120 = arith.constant 32 : i32
        %scan3A_121 = arith.addi %scan3A_119, %scan3A_120 : i32
        %scan3A_122 = arith.constant 1 : i32
        %scan3A_123:3 = scf.for %scan3A_125 = %scan3A_119 to %scan3A_121 step %scan3A_122 iter_args(%scan3A_126 = %scan3A_102, %scan3A_127 = %scan3A_103, %scan3A_128 = %scan3A_104) -> (vector<16xf32>, vector<16xi32>, vector<16xf32>)  : i32 {
          %mul3A_129 = arith.constant 1024 : i32
          %mul3A_130 = arith.muli %scan3A_125, %mul3A_129 : i32
          %add3A_131 = arith.addi %mul3A_108, %mul3A_130 : i32
          %get3A = arith.index_cast %add3A_131 : i32 to index
          %get3A_132 = tpu.vector_load %arg6[%get3A] {strides = array<i32>} : memref<65536xf32, #tpu.memory_space<vmem>>, vector<16xf32>,
          %add3A_133 = arith.addi %mul3A_108, %mul3A_130 : i32
          %add3A_134 = arith.constant 16 : i32
          %add3A_135 = arith.addi %add3A_133, %add3A_134 : i32
          %get3A_136 = arith.index_cast %add3A_135 : i32 to index
          %get3A_137 = tpu.vector_load %arg6[%get3A_136] {strides = array<i32>} : memref<65536xf32, #tpu.memory_space<vmem>>, vector<16xf32>,
          %max3A = arith.maximumf %get3A_132, %get3A_137 : vector<16xf32>
          %add3A_138 = arith.addi %mul3A_108, %mul3A_130 : i32
          %add3A_139 = arith.constant 32 : i32
          %add3A_140 = arith.addi %add3A_138, %add3A_139 : i32
          %get3A_141 = arith.index_cast %add3A_140 : i32 to index
          %get3A_142 = tpu.vector_load %arg6[%get3A_141] {strides = array<i32>} : memref<65536xf32, #tpu.memory_space<vmem>>, vector<16xf32>,
          %max3A_143 = arith.maximumf %max3A, %get3A_142 : vector<16xf32>
          %add3A_144 = arith.addi %mul3A_108, %mul3A_130 : i32
          %add3A_145 = arith.constant 48 : i32
          %add3A_146 = arith.addi %add3A_144, %add3A_145 : i32
          %get3A_147 = arith.index_cast %add3A_146 : i32 to index
          %get3A_148 = tpu.vector_load %arg6[%get3A_147] {strides = array<i32>} : memref<65536xf32, #tpu.memory_space<vmem>>, vector<16xf32>,
          %max3A_149 = arith.maximumf %max3A_143, %get3A_148 : vector<16xf32>
          %add3A_150 = arith.addi %mul3A_108, %mul3A_130 : i32
          %add3A_151 = arith.constant 64 : i32
          %add3A_152 = arith.addi %add3A_150, %add3A_151 : i32
          %get3A_153 = arith.index_cast %add3A_152 : i32 to index
          %get3A_154 = tpu.vector_load %arg6[%get3A_153] {strides = array<i32>} : memref<65536xf32, #tpu.memory_space<vmem>>, vector<16xf32>,
          %max3A_155 = arith.maximumf %max3A_149, %get3A_154 : vector<16xf32>
          %add3A_156 = arith.addi %mul3A_108, %mul3A_130 : i32
          %add3A_157 = arith.constant 80 : i32
          %add3A_158 = arith.addi %add3A_156, %add3A_157 : i32
          %get3A_159 = arith.index_cast %add3A_158 : i32 to index
          %get3A_160 = tpu.vector_load %arg6[%get3A_159] {strides = array<i32>} : memref<65536xf32, #tpu.memory_space<vmem>>, vector<16xf32>,
          %max3A_161 = arith.maximumf %max3A_155, %get3A_160 : vector<16xf32>
          %add3A_162 = arith.addi %mul3A_108, %mul3A_130 : i32
          %add3A_163 = arith.constant 96 : i32
          %add3A_164 = arith.addi %add3A_162, %add3A_163 : i32
          %get3A_165 = arith.index_cast %add3A_164 : i32 to index
          %get3A_166 = tpu.vector_load %arg6[%get3A_165] {strides = array<i32>} : memref<65536xf32, #tpu.memory_space<vmem>>, vector<16xf32>,
          %max3A_167 = arith.maximumf %max3A_161, %get3A_166 : vector<16xf32>
          %add3A_168 = arith.addi %mul3A_108, %mul3A_130 : i32
          %add3A_169 = arith.constant 112 : i32
          %add3A_170 = arith.addi %add3A_168, %add3A_169 : i32
          %get3A_171 = arith.index_cast %add3A_170 : i32 to index
          %get3A_172 = tpu.vector_load %arg6[%get3A_171] {strides = array<i32>} : memref<65536xf32, #tpu.memory_space<vmem>>, vector<16xf32>,
          %max3A_173 = arith.maximumf %max3A_167, %get3A_172 : vector<16xf32>
          %add3A_174 = arith.addi %mul3A_108, %mul3A_130 : i32
          %add3A_175 = arith.constant 128 : i32
          %add3A_176 = arith.addi %add3A_174, %add3A_175 : i32
          %get3A_177 = arith.index_cast %add3A_176 : i32 to index
          %get3A_178 = tpu.vector_load %arg6[%get3A_177] {strides = array<i32>} : memref<65536xf32, #tpu.memory_space<vmem>>, vector<16xf32>,
          %max3A_179 = arith.maximumf %max3A_173, %get3A_178 : vector<16xf32>
          %add3A_180 = arith.addi %mul3A_108, %mul3A_130 : i32
          %add3A_181 = arith.constant 144 : i32
          %add3A_182 = arith.addi %add3A_180, %add3A_181 : i32
          %get3A_183 = arith.index_cast %add3A_182 : i32 to index
          %get3A_184 = tpu.vector_load %arg6[%get3A_183] {strides = array<i32>} : memref<65536xf32, #tpu.memory_space<vmem>>, vector<16xf32>,
          %max3A_185 = arith.maximumf %max3A_179, %get3A_184 : vector<16xf32>
          %add3A_186 = arith.addi %mul3A_108, %mul3A_130 : i32
          %add3A_187 = arith.constant 160 : i32
          %add3A_188 = arith.addi %add3A_186, %add3A_187 : i32
          %get3A_189 = arith.index_cast %add3A_188 : i32 to index
          %get3A_190 = tpu.vector_load %arg6[%get3A_189] {strides = array<i32>} : memref<65536xf32, #tpu.memory_space<vmem>>, vector<16xf32>,
          %max3A_191 = arith.maximumf %max3A_185, %get3A_190 : vector<16xf32>
          %add3A_192 = arith.addi %mul3A_108, %mul3A_130 : i32
          %add3A_193 = arith.constant 176 : i32
          %add3A_194 = arith.addi %add3A_192, %add3A_193 : i32
          %get3A_195 = arith.index_cast %add3A_194 : i32 to index
          %get3A_196 = tpu.vector_load %arg6[%get3A_195] {strides = array<i32>} : memref<65536xf32, #tpu.memory_space<vmem>>, vector<16xf32>,
          %max3A_197 = arith.maximumf %max3A_191, %get3A_196 : vector<16xf32>
          %add3A_198 = arith.addi %mul3A_108, %mul3A_130 : i32
          %add3A_199 = arith.constant 192 : i32
          %add3A_200 = arith.addi %add3A_198, %add3A_199 : i32
          %get3A_201 = arith.index_cast %add3A_200 : i32 to index
          %get3A_202 = tpu.vector_load %arg6[%get3A_201] {strides = array<i32>} : memref<65536xf32, #tpu.memory_space<vmem>>, vector<16xf32>,
          %max3A_203 = arith.maximumf %max3A_197, %get3A_202 : vector<16xf32>
          %add3A_204 = arith.addi %mul3A_108, %mul3A_130 : i32
          %add3A_205 = arith.constant 208 : i32
          %add3A_206 = arith.addi %add3A_204, %add3A_205 : i32
          %get3A_207 = arith.index_cast %add3A_206 : i32 to index
          %get3A_208 = tpu.vector_load %arg6[%get3A_207] {strides = array<i32>} : memref<65536xf32, #tpu.memory_space<vmem>>, vector<16xf32>,
          %max3A_209 = arith.maximumf %max3A_203, %get3A_208 : vector<16xf32>
          %add3A_210 = arith.addi %mul3A_108, %mul3A_130 : i32
          %add3A_211 = arith.constant 224 : i32
          %add3A_212 = arith.addi %add3A_210, %add3A_211 : i32
          %get3A_213 = arith.index_cast %add3A_212 : i32 to index
          %get3A_214 = tpu.vector_load %arg6[%get3A_213] {strides = array<i32>} : memref<65536xf32, #tpu.memory_space<vmem>>, vector<16xf32>,
          %max3A_215 = arith.maximumf %max3A_209, %get3A_214 : vector<16xf32>
          %add3A_216 = arith.addi %mul3A_108, %mul3A_130 : i32
          %add3A_217 = arith.constant 240 : i32
          %add3A_218 = arith.addi %add3A_216, %add3A_217 : i32
          %get3A_219 = arith.index_cast %add3A_218 : i32 to index
          %get3A_220 = tpu.vector_load %arg6[%get3A_219] {strides = array<i32>} : memref<65536xf32, #tpu.memory_space<vmem>>, vector<16xf32>,
          %max3A_221 = arith.maximumf %max3A_215, %get3A_220 : vector<16xf32>
          %add3A_222 = arith.addi %mul3A_108, %mul3A_130 : i32
          %add3A_223 = arith.constant 256 : i32
          %add3A_224 = arith.addi %add3A_222, %add3A_223 : i32
          %get3A_225 = arith.index_cast %add3A_224 : i32 to index
          %get3A_226 = tpu.vector_load %arg6[%get3A_225] {strides = array<i32>} : memref<65536xf32, #tpu.memory_space<vmem>>, vector<16xf32>,
          %max3A_227 = arith.maximumf %max3A_221, %get3A_226 : vector<16xf32>
          %add3A_228 = arith.addi %mul3A_108, %mul3A_130 : i32
          %add3A_229 = arith.constant 272 : i32
          %add3A_230 = arith.addi %add3A_228, %add3A_229 : i32
          %get3A_231 = arith.index_cast %add3A_230 : i32 to index
          %get3A_232 = tpu.vector_load %arg6[%get3A_231] {strides = array<i32>} : memref<65536xf32, #tpu.memory_space<vmem>>, vector<16xf32>,
          %max3A_233 = arith.maximumf %max3A_227, %get3A_232 : vector<16xf32>
          %add3A_234 = arith.addi %mul3A_108, %mul3A_130 : i32
          %add3A_235 = arith.constant 288 : i32
          %add3A_236 = arith.addi %add3A_234, %add3A_235 : i32
          %get3A_237 = arith.index_cast %add3A_236 : i32 to index
          %get3A_238 = tpu.vector_load %arg6[%get3A_237] {strides = array<i32>} : memref<65536xf32, #tpu.memory_space<vmem>>, vector<16xf32>,
          %max3A_239 = arith.maximumf %max3A_233, %get3A_238 : vector<16xf32>
          %add3A_240 = arith.addi %mul3A_108, %mul3A_130 : i32
          %add3A_241 = arith.constant 304 : i32
          %add3A_242 = arith.addi %add3A_240, %add3A_241 : i32
          %get3A_243 = arith.index_cast %add3A_242 : i32 to index
          %get3A_244 = tpu.vector_load %arg6[%get3A_243] {strides = array<i32>} : memref<65536xf32, #tpu.memory_space<vmem>>, vector<16xf32>,
          %max3A_245 = arith.maximumf %max3A_239, %get3A_244 : vector<16xf32>
          %add3A_246 = arith.addi %mul3A_108, %mul3A_130 : i32
          %add3A_247 = arith.constant 320 : i32
          %add3A_248 = arith.addi %add3A_246, %add3A_247 : i32
          %get3A_249 = arith.index_cast %add3A_248 : i32 to index
          %get3A_250 = tpu.vector_load %arg6[%get3A_249] {strides = array<i32>} : memref<65536xf32, #tpu.memory_space<vmem>>, vector<16xf32>,
          %max3A_251 = arith.maximumf %max3A_245, %get3A_250 : vector<16xf32>
          %add3A_252 = arith.addi %mul3A_108, %mul3A_130 : i32
          %add3A_253 = arith.constant 336 : i32
          %add3A_254 = arith.addi %add3A_252, %add3A_253 : i32
          %get3A_255 = arith.index_cast %add3A_254 : i32 to index
          %get3A_256 = tpu.vector_load %arg6[%get3A_255] {strides = array<i32>} : memref<65536xf32, #tpu.memory_space<vmem>>, vector<16xf32>,
          %max3A_257 = arith.maximumf %max3A_251, %get3A_256 : vector<16xf32>
          %add3A_258 = arith.addi %mul3A_108, %mul3A_130 : i32
          %add3A_259 = arith.constant 352 : i32
          %add3A_260 = arith.addi %add3A_258, %add3A_259 : i32
          %get3A_261 = arith.index_cast %add3A_260 : i32 to index
          %get3A_262 = tpu.vector_load %arg6[%get3A_261] {strides = array<i32>} : memref<65536xf32, #tpu.memory_space<vmem>>, vector<16xf32>,
          %max3A_263 = arith.maximumf %max3A_257, %get3A_262 : vector<16xf32>
          %add3A_264 = arith.addi %mul3A_108, %mul3A_130 : i32
          %add3A_265 = arith.constant 368 : i32
          %add3A_266 = arith.addi %add3A_264, %add3A_265 : i32
          %get3A_267 = arith.index_cast %add3A_266 : i32 to index
          %get3A_268 = tpu.vector_load %arg6[%get3A_267] {strides = array<i32>} : memref<65536xf32, #tpu.memory_space<vmem>>, vector<16xf32>,
          %max3A_269 = arith.maximumf %max3A_263, %get3A_268 : vector<16xf32>
          %add3A_270 = arith.addi %mul3A_108, %mul3A_130 : i32
          %add3A_271 = arith.constant 384 : i32
          %add3A_272 = arith.addi %add3A_270, %add3A_271 : i32
          %get3A_273 = arith.index_cast %add3A_272 : i32 to index
          %get3A_274 = tpu.vector_load %arg6[%get3A_273] {strides = array<i32>} : memref<65536xf32, #tpu.memory_space<vmem>>, vector<16xf32>,
          %max3A_275 = arith.maximumf %max3A_269, %get3A_274 : vector<16xf32>
          %add3A_276 = arith.addi %mul3A_108, %mul3A_130 : i32
          %add3A_277 = arith.constant 400 : i32
          %add3A_278 = arith.addi %add3A_276, %add3A_277 : i32
          %get3A_279 = arith.index_cast %add3A_278 : i32 to index
          %get3A_280 = tpu.vector_load %arg6[%get3A_279] {strides = array<i32>} : memref<65536xf32, #tpu.memory_space<vmem>>, vector<16xf32>,
          %max3A_281 = arith.maximumf %max3A_275, %get3A_280 : vector<16xf32>
          %add3A_282 = arith.addi %mul3A_108, %mul3A_130 : i32
          %add3A_283 = arith.constant 416 : i32
          %add3A_284 = arith.addi %add3A_282, %add3A_283 : i32
          %get3A_285 = arith.index_cast %add3A_284 : i32 to index
          %get3A_286 = tpu.vector_load %arg6[%get3A_285] {strides = array<i32>} : memref<65536xf32, #tpu.memory_space<vmem>>, vector<16xf32>,
          %max3A_287 = arith.maximumf %max3A_281, %get3A_286 : vector<16xf32>
          %add3A_288 = arith.addi %mul3A_108, %mul3A_130 : i32
          %add3A_289 = arith.constant 432 : i32
          %add3A_290 = arith.addi %add3A_288, %add3A_289 : i32
          %get3A_291 = arith.index_cast %add3A_290 : i32 to index
          %get3A_292 = tpu.vector_load %arg6[%get3A_291] {strides = array<i32>} : memref<65536xf32, #tpu.memory_space<vmem>>, vector<16xf32>,
          %max3A_293 = arith.maximumf %max3A_287, %get3A_292 : vector<16xf32>
          %add3A_294 = arith.addi %mul3A_108, %mul3A_130 : i32
          %add3A_295 = arith.constant 448 : i32
          %add3A_296 = arith.addi %add3A_294, %add3A_295 : i32
          %get3A_297 = arith.index_cast %add3A_296 : i32 to index
          %get3A_298 = tpu.vector_load %arg6[%get3A_297] {strides = array<i32>} : memref<65536xf32, #tpu.memory_space<vmem>>, vector<16xf32>,
          %max3A_299 = arith.maximumf %max3A_293, %get3A_298 : vector<16xf32>
          %add3A_300 = arith.addi %mul3A_108, %mul3A_130 : i32
          %add3A_301 = arith.constant 464 : i32
          %add3A_302 = arith.addi %add3A_300, %add3A_301 : i32
          %get3A_303 = arith.index_cast %add3A_302 : i32 to index
          %get3A_304 = tpu.vector_load %arg6[%get3A_303] {strides = array<i32>} : memref<65536xf32, #tpu.memory_space<vmem>>, vector<16xf32>,
          %max3A_305 = arith.maximumf %max3A_299, %get3A_304 : vector<16xf32>
          %add3A_306 = arith.addi %mul3A_108, %mul3A_130 : i32
          %add3A_307 = arith.constant 480 : i32
          %add3A_308 = arith.addi %add3A_306, %add3A_307 : i32
          %get3A_309 = arith.index_cast %add3A_308 : i32 to index
          %get3A_310 = tpu.vector_load %arg6[%get3A_309] {strides = array<i32>} : memref<65536xf32, #tpu.memory_space<vmem>>, vector<16xf32>,
          %max3A_311 = arith.maximumf %max3A_305, %get3A_310 : vector<16xf32>
          %add3A_312 = arith.addi %mul3A_108, %mul3A_130 : i32
          %add3A_313 = arith.constant 496 : i32
          %add3A_314 = arith.addi %add3A_312, %add3A_313 : i32
          %get3A_315 = arith.index_cast %add3A_314 : i32 to index
          %get3A_316 = tpu.vector_load %arg6[%get3A_315] {strides = array<i32>} : memref<65536xf32, #tpu.memory_space<vmem>>, vector<16xf32>,
          %max3A_317 = arith.maximumf %max3A_311, %get3A_316 : vector<16xf32>
          %add3A_318 = arith.addi %mul3A_108, %mul3A_130 : i32
          %add3A_319 = arith.constant 512 : i32
          %add3A_320 = arith.addi %add3A_318, %add3A_319 : i32
          %get3A_321 = arith.index_cast %add3A_320 : i32 to index
          %get3A_322 = tpu.vector_load %arg6[%get3A_321] {strides = array<i32>} : memref<65536xf32, #tpu.memory_space<vmem>>, vector<16xf32>,
          %max3A_323 = arith.maximumf %max3A_317, %get3A_322 : vector<16xf32>
          %add3A_324 = arith.addi %mul3A_108, %mul3A_130 : i32
          %add3A_325 = arith.constant 528 : i32
          %add3A_326 = arith.addi %add3A_324, %add3A_325 : i32
          %get3A_327 = arith.index_cast %add3A_326 : i32 to index
          %get3A_328 = tpu.vector_load %arg6[%get3A_327] {strides = array<i32>} : memref<65536xf32, #tpu.memory_space<vmem>>, vector<16xf32>,
          %max3A_329 = arith.maximumf %max3A_323, %get3A_328 : vector<16xf32>
          %add3A_330 = arith.addi %mul3A_108, %mul3A_130 : i32
          %add3A_331 = arith.constant 544 : i32
          %add3A_332 = arith.addi %add3A_330, %add3A_331 : i32
          %get3A_333 = arith.index_cast %add3A_332 : i32 to index
          %get3A_334 = tpu.vector_load %arg6[%get3A_333] {strides = array<i32>} : memref<65536xf32, #tpu.memory_space<vmem>>, vector<16xf32>,
          %max3A_335 = arith.maximumf %max3A_329, %get3A_334 : vector<16xf32>
          %add3A_336 = arith.addi %mul3A_108, %mul3A_130 : i32
          %add3A_337 = arith.constant 560 : i32
          %add3A_338 = arith.addi %add3A_336, %add3A_337 : i32
          %get3A_339 = arith.index_cast %add3A_338 : i32 to index
          %get3A_340 = tpu.vector_load %arg6[%get3A_339] {strides = array<i32>} : memref<65536xf32, #tpu.memory_space<vmem>>, vector<16xf32>,
          %max3A_341 = arith.maximumf %max3A_335, %get3A_340 : vector<16xf32>
          %add3A_342 = arith.addi %mul3A_108, %mul3A_130 : i32
          %add3A_343 = arith.constant 576 : i32
          %add3A_344 = arith.addi %add3A_342, %add3A_343 : i32
          %get3A_345 = arith.index_cast %add3A_344 : i32 to index
          %get3A_346 = tpu.vector_load %arg6[%get3A_345] {strides = array<i32>} : memref<65536xf32, #tpu.memory_space<vmem>>, vector<16xf32>,
          %max3A_347 = arith.maximumf %max3A_341, %get3A_346 : vector<16xf32>
          %add3A_348 = arith.addi %mul3A_108, %mul3A_130 : i32
          %add3A_349 = arith.constant 592 : i32
          %add3A_350 = arith.addi %add3A_348, %add3A_349 : i32
          %get3A_351 = arith.index_cast %add3A_350 : i32 to index
          %get3A_352 = tpu.vector_load %arg6[%get3A_351] {strides = array<i32>} : memref<65536xf32, #tpu.memory_space<vmem>>, vector<16xf32>,
          %max3A_353 = arith.maximumf %max3A_347, %get3A_352 : vector<16xf32>
          %add3A_354 = arith.addi %mul3A_108, %mul3A_130 : i32
          %add3A_355 = arith.constant 608 : i32
          %add3A_356 = arith.addi %add3A_354, %add3A_355 : i32
          %get3A_357 = arith.index_cast %add3A_356 : i32 to index
          %get3A_358 = tpu.vector_load %arg6[%get3A_357] {strides = array<i32>} : memref<65536xf32, #tpu.memory_space<vmem>>, vector<16xf32>,
          %max3A_359 = arith.maximumf %max3A_353, %get3A_358 : vector<16xf32>
          %add3A_360 = arith.addi %mul3A_108, %mul3A_130 : i32
          %add3A_361 = arith.constant 624 : i32
          %add3A_362 = arith.addi %add3A_360, %add3A_361 : i32
          %get3A_363 = arith.index_cast %add3A_362 : i32 to index
          %get3A_364 = tpu.vector_load %arg6[%get3A_363] {strides = array<i32>} : memref<65536xf32, #tpu.memory_space<vmem>>, vector<16xf32>,
          %max3A_365 = arith.maximumf %max3A_359, %get3A_364 : vector<16xf32>
          %add3A_366 = arith.addi %mul3A_108, %mul3A_130 : i32
          %add3A_367 = arith.constant 640 : i32
          %add3A_368 = arith.addi %add3A_366, %add3A_367 : i32
          %get3A_369 = arith.index_cast %add3A_368 : i32 to index
          %get3A_370 = tpu.vector_load %arg6[%get3A_369] {strides = array<i32>} : memref<65536xf32, #tpu.memory_space<vmem>>, vector<16xf32>,
          %max3A_371 = arith.maximumf %max3A_365, %get3A_370 : vector<16xf32>
          %add3A_372 = arith.addi %mul3A_108, %mul3A_130 : i32
          %add3A_373 = arith.constant 656 : i32
          %add3A_374 = arith.addi %add3A_372, %add3A_373 : i32
          %get3A_375 = arith.index_cast %add3A_374 : i32 to index
          %get3A_376 = tpu.vector_load %arg6[%get3A_375] {strides = array<i32>} : memref<65536xf32, #tpu.memory_space<vmem>>, vector<16xf32>,
          %max3A_377 = arith.maximumf %max3A_371, %get3A_376 : vector<16xf32>
          %add3A_378 = arith.addi %mul3A_108, %mul3A_130 : i32
          %add3A_379 = arith.constant 672 : i32
          %add3A_380 = arith.addi %add3A_378, %add3A_379 : i32
          %get3A_381 = arith.index_cast %add3A_380 : i32 to index
          %get3A_382 = tpu.vector_load %arg6[%get3A_381] {strides = array<i32>} : memref<65536xf32, #tpu.memory_space<vmem>>, vector<16xf32>,
          %max3A_383 = arith.maximumf %max3A_377, %get3A_382 : vector<16xf32>
          %add3A_384 = arith.addi %mul3A_108, %mul3A_130 : i32
          %add3A_385 = arith.constant 688 : i32
          %add3A_386 = arith.addi %add3A_384, %add3A_385 : i32
          %get3A_387 = arith.index_cast %add3A_386 : i32 to index
          %get3A_388 = tpu.vector_load %arg6[%get3A_387] {strides = array<i32>} : memref<65536xf32, #tpu.memory_space<vmem>>, vector<16xf32>,
          %max3A_389 = arith.maximumf %max3A_383, %get3A_388 : vector<16xf32>
          %add3A_390 = arith.addi %mul3A_108, %mul3A_130 : i32
          %add3A_391 = arith.constant 704 : i32
          %add3A_392 = arith.addi %add3A_390, %add3A_391 : i32
          %get3A_393 = arith.index_cast %add3A_392 : i32 to index
          %get3A_394 = tpu.vector_load %arg6[%get3A_393] {strides = array<i32>} : memref<65536xf32, #tpu.memory_space<vmem>>, vector<16xf32>,
          %max3A_395 = arith.maximumf %max3A_389, %get3A_394 : vector<16xf32>
          %add3A_396 = arith.addi %mul3A_108, %mul3A_130 : i32
          %add3A_397 = arith.constant 720 : i32
          %add3A_398 = arith.addi %add3A_396, %add3A_397 : i32
          %get3A_399 = arith.index_cast %add3A_398 : i32 to index
          %get3A_400 = tpu.vector_load %arg6[%get3A_399] {strides = array<i32>} : memref<65536xf32, #tpu.memory_space<vmem>>, vector<16xf32>,
          %max3A_401 = arith.maximumf %max3A_395, %get3A_400 : vector<16xf32>
          %add3A_402 = arith.addi %mul3A_108, %mul3A_130 : i32
          %add3A_403 = arith.constant 736 : i32
          %add3A_404 = arith.addi %add3A_402, %add3A_403 : i32
          %get3A_405 = arith.index_cast %add3A_404 : i32 to index
          %get3A_406 = tpu.vector_load %arg6[%get3A_405] {strides = array<i32>} : memref<65536xf32, #tpu.memory_space<vmem>>, vector<16xf32>,
          %max3A_407 = arith.maximumf %max3A_401, %get3A_406 : vector<16xf32>
          %add3A_408 = arith.addi %mul3A_108, %mul3A_130 : i32
          %add3A_409 = arith.constant 752 : i32
          %add3A_410 = arith.addi %add3A_408, %add3A_409 : i32
          %get3A_411 = arith.index_cast %add3A_410 : i32 to index
          %get3A_412 = tpu.vector_load %arg6[%get3A_411] {strides = array<i32>} : memref<65536xf32, #tpu.memory_space<vmem>>, vector<16xf32>,
          %max3A_413 = arith.maximumf %max3A_407, %get3A_412 : vector<16xf32>
          %add3A_414 = arith.addi %mul3A_108, %mul3A_130 : i32
          %add3A_415 = arith.constant 768 : i32
          %add3A_416 = arith.addi %add3A_414, %add3A_415 : i32
          %get3A_417 = arith.index_cast %add3A_416 : i32 to index
          %get3A_418 = tpu.vector_load %arg6[%get3A_417] {strides = array<i32>} : memref<65536xf32, #tpu.memory_space<vmem>>, vector<16xf32>,
          %max3A_419 = arith.maximumf %max3A_413, %get3A_418 : vector<16xf32>
          %add3A_420 = arith.addi %mul3A_108, %mul3A_130 : i32
          %add3A_421 = arith.constant 784 : i32
          %add3A_422 = arith.addi %add3A_420, %add3A_421 : i32
          %get3A_423 = arith.index_cast %add3A_422 : i32 to index
          %get3A_424 = tpu.vector_load %arg6[%get3A_423] {strides = array<i32>} : memref<65536xf32, #tpu.memory_space<vmem>>, vector<16xf32>,
          %max3A_425 = arith.maximumf %max3A_419, %get3A_424 : vector<16xf32>
          %add3A_426 = arith.addi %mul3A_108, %mul3A_130 : i32
          %add3A_427 = arith.constant 800 : i32
          %add3A_428 = arith.addi %add3A_426, %add3A_427 : i32
          %get3A_429 = arith.index_cast %add3A_428 : i32 to index
          %get3A_430 = tpu.vector_load %arg6[%get3A_429] {strides = array<i32>} : memref<65536xf32, #tpu.memory_space<vmem>>, vector<16xf32>,
          %max3A_431 = arith.maximumf %max3A_425, %get3A_430 : vector<16xf32>
          %add3A_432 = arith.addi %mul3A_108, %mul3A_130 : i32
          %add3A_433 = arith.constant 816 : i32
          %add3A_434 = arith.addi %add3A_432, %add3A_433 : i32
          %get3A_435 = arith.index_cast %add3A_434 : i32 to index
          %get3A_436 = tpu.vector_load %arg6[%get3A_435] {strides = array<i32>} : memref<65536xf32, #tpu.memory_space<vmem>>, vector<16xf32>,
          %max3A_437 = arith.maximumf %max3A_431, %get3A_436 : vector<16xf32>
          %add3A_438 = arith.addi %mul3A_108, %mul3A_130 : i32
          %add3A_439 = arith.constant 832 : i32
          %add3A_440 = arith.addi %add3A_438, %add3A_439 : i32
          %get3A_441 = arith.index_cast %add3A_440 : i32 to index
          %get3A_442 = tpu.vector_load %arg6[%get3A_441] {strides = array<i32>} : memref<65536xf32, #tpu.memory_space<vmem>>, vector<16xf32>,
          %max3A_443 = arith.maximumf %max3A_437, %get3A_442 : vector<16xf32>
          %add3A_444 = arith.addi %mul3A_108, %mul3A_130 : i32
          %add3A_445 = arith.constant 848 : i32
          %add3A_446 = arith.addi %add3A_444, %add3A_445 : i32
          %get3A_447 = arith.index_cast %add3A_446 : i32 to index
          %get3A_448 = tpu.vector_load %arg6[%get3A_447] {strides = array<i32>} : memref<65536xf32, #tpu.memory_space<vmem>>, vector<16xf32>,
          %max3A_449 = arith.maximumf %max3A_443, %get3A_448 : vector<16xf32>
          %add3A_450 = arith.addi %mul3A_108, %mul3A_130 : i32
          %add3A_451 = arith.constant 864 : i32
          %add3A_452 = arith.addi %add3A_450, %add3A_451 : i32
          %get3A_453 = arith.index_cast %add3A_452 : i32 to index
          %get3A_454 = tpu.vector_load %arg6[%get3A_453] {strides = array<i32>} : memref<65536xf32, #tpu.memory_space<vmem>>, vector<16xf32>,
          %max3A_455 = arith.maximumf %max3A_449, %get3A_454 : vector<16xf32>
          %add3A_456 = arith.addi %mul3A_108, %mul3A_130 : i32
          %add3A_457 = arith.constant 880 : i32
          %add3A_458 = arith.addi %add3A_456, %add3A_457 : i32
          %get3A_459 = arith.index_cast %add3A_458 : i32 to index
          %get3A_460 = tpu.vector_load %arg6[%get3A_459] {strides = array<i32>} : memref<65536xf32, #tpu.memory_space<vmem>>, vector<16xf32>,
          %max3A_461 = arith.maximumf %max3A_455, %get3A_460 : vector<16xf32>
          %add3A_462 = arith.addi %mul3A_108, %mul3A_130 : i32
          %add3A_463 = arith.constant 896 : i32
          %add3A_464 = arith.addi %add3A_462, %add3A_463 : i32
          %get3A_465 = arith.index_cast %add3A_464 : i32 to index
          %get3A_466 = tpu.vector_load %arg6[%get3A_465] {strides = array<i32>} : memref<65536xf32, #tpu.memory_space<vmem>>, vector<16xf32>,
          %max3A_467 = arith.maximumf %max3A_461, %get3A_466 : vector<16xf32>
          %add3A_468 = arith.addi %mul3A_108, %mul3A_130 : i32
          %add3A_469 = arith.constant 912 : i32
          %add3A_470 = arith.addi %add3A_468, %add3A_469 : i32
          %get3A_471 = arith.index_cast %add3A_470 : i32 to index
          %get3A_472 = tpu.vector_load %arg6[%get3A_471] {strides = array<i32>} : memref<65536xf32, #tpu.memory_space<vmem>>, vector<16xf32>,
          %max3A_473 = arith.maximumf %max3A_467, %get3A_472 : vector<16xf32>
          %add3A_474 = arith.addi %mul3A_108, %mul3A_130 : i32
          %add3A_475 = arith.constant 928 : i32
          %add3A_476 = arith.addi %add3A_474, %add3A_475 : i32
          %get3A_477 = arith.index_cast %add3A_476 : i32 to index
          %get3A_478 = tpu.vector_load %arg6[%get3A_477] {strides = array<i32>} : memref<65536xf32, #tpu.memory_space<vmem>>, vector<16xf32>,
          %max3A_479 = arith.maximumf %max3A_473, %get3A_478 : vector<16xf32>
          %add3A_480 = arith.addi %mul3A_108, %mul3A_130 : i32
          %add3A_481 = arith.constant 944 : i32
          %add3A_482 = arith.addi %add3A_480, %add3A_481 : i32
          %get3A_483 = arith.index_cast %add3A_482 : i32 to index
          %get3A_484 = tpu.vector_load %arg6[%get3A_483] {strides = array<i32>} : memref<65536xf32, #tpu.memory_space<vmem>>, vector<16xf32>,
          %max3A_485 = arith.maximumf %max3A_479, %get3A_484 : vector<16xf32>
          %add3A_486 = arith.addi %mul3A_108, %mul3A_130 : i32
          %add3A_487 = arith.constant 960 : i32
          %add3A_488 = arith.addi %add3A_486, %add3A_487 : i32
          %get3A_489 = arith.index_cast %add3A_488 : i32 to index
          %get3A_490 = tpu.vector_load %arg6[%get3A_489] {strides = array<i32>} : memref<65536xf32, #tpu.memory_space<vmem>>, vector<16xf32>,
          %max3A_491 = arith.maximumf %max3A_485, %get3A_490 : vector<16xf32>
          %add3A_492 = arith.addi %mul3A_108, %mul3A_130 : i32
          %add3A_493 = arith.constant 976 : i32
          %add3A_494 = arith.addi %add3A_492, %add3A_493 : i32
          %get3A_495 = arith.index_cast %add3A_494 : i32 to index
          %get3A_496 = tpu.vector_load %arg6[%get3A_495] {strides = array<i32>} : memref<65536xf32, #tpu.memory_space<vmem>>, vector<16xf32>,
          %max3A_497 = arith.maximumf %max3A_491, %get3A_496 : vector<16xf32>
          %add3A_498 = arith.addi %mul3A_108, %mul3A_130 : i32
          %add3A_499 = arith.constant 992 : i32
          %add3A_500 = arith.addi %add3A_498, %add3A_499 : i32
          %get3A_501 = arith.index_cast %add3A_500 : i32 to index
          %get3A_502 = tpu.vector_load %arg6[%get3A_501] {strides = array<i32>} : memref<65536xf32, #tpu.memory_space<vmem>>, vector<16xf32>,
          %max3A_503 = arith.maximumf %max3A_497, %get3A_502 : vector<16xf32>
          %add3A_504 = arith.addi %mul3A_108, %mul3A_130 : i32
          %add3A_505 = arith.constant 1008 : i32
          %add3A_506 = arith.addi %add3A_504, %add3A_505 : i32
          %get3A_507 = arith.index_cast %add3A_506 : i32 to index
          %get3A_508 = tpu.vector_load %arg6[%get3A_507] {strides = array<i32>} : memref<65536xf32, #tpu.memory_space<vmem>>, vector<16xf32>,
          %max3A_509 = arith.maximumf %max3A_503, %get3A_508 : vector<16xf32>
          %gt3A = arith.cmpf ogt, %max3A_509, %scan3A_128 : vector<16xf32>
          %reduce_or3A = arith.constant 1.000000e+00 : f32
          %reduce_or3A_510 = arith.constant 0.000000e+00 : f32
          %reduce_or3A_511 = vector.broadcast %reduce_or3A : f32 to vector<16xf32>
          %reduce_or3A_512 = vector.broadcast %reduce_or3A_510 : f32 to vector<16xf32>
          %reduce_or3A_513 = arith.select %gt3A, %reduce_or3A_511, %reduce_or3A_512 : vector<16xi1>, vector<16xf32>
          %reduce_or3A_514 = arith.constant true
          %reduce_or3A_515 = vector.broadcast %reduce_or3A_514 : i1 to vector<16xi1>
          %reduce_or3A_516 = tpu.scan <max>, %reduce_or3A_513 masked %reduce_or3A_515 : vector<16xf32>, vector<16xi1> -> vector<16xf32>
          %reduce_or3A_517 = vector.extract %reduce_or3A_516[15] : f32 from vector<16xf32>
          %reduce_or3A_518 = arith.constant 0.000000e+00 : f32
          %reduce_or3A_519 = arith.cmpf ogt, %reduce_or3A_517, %reduce_or3A_518 : f32
          %convert_element_type3A_520 = arith.extui %reduce_or3A_519 : i1 to i32
          %cond3A_521 = arith.constant 0 : i32
          %cond3A_522 = arith.cmpi ne, %convert_element_type3A_520, %cond3A_521 : i32
          %cond3A_523:3 = scf.if %cond3A_522 -> (vector<16xf32>, vector<16xi32>, vector<16xf32>) {
            %scan3A_524 = arith.constant 0 : i32
            %scan3A_525 = arith.constant 8 : i32
            %scan3A_526 = arith.addi %scan3A_524, %scan3A_525 : i32
            %scan3A_527 = arith.constant 1 : i32
            %scan3A_528:3 = scf.for %scan3A_530 = %scan3A_524 to %scan3A_526 step %scan3A_527 iter_args(%scan3A_531 = %scan3A_126, %scan3A_532 = %scan3A_127, %scan3A_533 = %scan3A_128) -> (vector<16xf32>, vector<16xi32>, vector<16xf32>)  : i32 {
              %mul3A_534 = arith.constant 128 : i32
              %mul3A_535 = arith.muli %scan3A_530, %mul3A_534 : i32
              %add3A_536 = arith.addi %mul3A_130, %mul3A_535 : i32
              %add3A_537 = arith.addi %mul3A_108, %add3A_536 : i32
              %get3A_538 = arith.index_cast %add3A_537 : i32 to index
              %get3A_539 = tpu.vector_load %arg6[%get3A_538] {strides = array<i32>} : memref<65536xf32, #tpu.memory_space<vmem>>, vector<16xf32>,
              %add3A_540 = arith.addi %mul3A_108, %add3A_536 : i32
              %add3A_541 = arith.constant 16 : i32
              %add3A_542 = arith.addi %add3A_540, %add3A_541 : i32
              %get3A_543 = arith.index_cast %add3A_542 : i32 to index
              %get3A_544 = tpu.vector_load %arg6[%get3A_543] {strides = array<i32>} : memref<65536xf32, #tpu.memory_space<vmem>>, vector<16xf32>,
              %max3A_545 = arith.maximumf %get3A_539, %get3A_544 : vector<16xf32>
              %add3A_546 = arith.addi %mul3A_108, %add3A_536 : i32
              %add3A_547 = arith.constant 32 : i32
              %add3A_548 = arith.addi %add3A_546, %add3A_547 : i32
              %get3A_549 = arith.index_cast %add3A_548 : i32 to index
              %get3A_550 = tpu.vector_load %arg6[%get3A_549] {strides = array<i32>} : memref<65536xf32, #tpu.memory_space<vmem>>, vector<16xf32>,
              %max3A_551 = arith.maximumf %max3A_545, %get3A_550 : vector<16xf32>
              %add3A_552 = arith.addi %mul3A_108, %add3A_536 : i32
              %add3A_553 = arith.constant 48 : i32
              %add3A_554 = arith.addi %add3A_552, %add3A_553 : i32
              %get3A_555 = arith.index_cast %add3A_554 : i32 to index
              %get3A_556 = tpu.vector_load %arg6[%get3A_555] {strides = array<i32>} : memref<65536xf32, #tpu.memory_space<vmem>>, vector<16xf32>,
              %max3A_557 = arith.maximumf %max3A_551, %get3A_556 : vector<16xf32>
              %add3A_558 = arith.addi %mul3A_108, %add3A_536 : i32
              %add3A_559 = arith.constant 64 : i32
              %add3A_560 = arith.addi %add3A_558, %add3A_559 : i32
              %get3A_561 = arith.index_cast %add3A_560 : i32 to index
              %get3A_562 = tpu.vector_load %arg6[%get3A_561] {strides = array<i32>} : memref<65536xf32, #tpu.memory_space<vmem>>, vector<16xf32>,
              %max3A_563 = arith.maximumf %max3A_557, %get3A_562 : vector<16xf32>
              %add3A_564 = arith.addi %mul3A_108, %add3A_536 : i32
              %add3A_565 = arith.constant 80 : i32
              %add3A_566 = arith.addi %add3A_564, %add3A_565 : i32
              %get3A_567 = arith.index_cast %add3A_566 : i32 to index
              %get3A_568 = tpu.vector_load %arg6[%get3A_567] {strides = array<i32>} : memref<65536xf32, #tpu.memory_space<vmem>>, vector<16xf32>,
              %max3A_569 = arith.maximumf %max3A_563, %get3A_568 : vector<16xf32>
              %add3A_570 = arith.addi %mul3A_108, %add3A_536 : i32
              %add3A_571 = arith.constant 96 : i32
              %add3A_572 = arith.addi %add3A_570, %add3A_571 : i32
              %get3A_573 = arith.index_cast %add3A_572 : i32 to index
              %get3A_574 = tpu.vector_load %arg6[%get3A_573] {strides = array<i32>} : memref<65536xf32, #tpu.memory_space<vmem>>, vector<16xf32>,
              %max3A_575 = arith.maximumf %max3A_569, %get3A_574 : vector<16xf32>
              %add3A_576 = arith.addi %mul3A_108, %add3A_536 : i32
              %add3A_577 = arith.constant 112 : i32
              %add3A_578 = arith.addi %add3A_576, %add3A_577 : i32
              %get3A_579 = arith.index_cast %add3A_578 : i32 to index
              %get3A_580 = tpu.vector_load %arg6[%get3A_579] {strides = array<i32>} : memref<65536xf32, #tpu.memory_space<vmem>>, vector<16xf32>,
              %max3A_581 = arith.maximumf %max3A_575, %get3A_580 : vector<16xf32>
              %gt3A_582 = arith.cmpf ogt, %max3A_581, %scan3A_533 : vector<16xf32>
              %reduce_or3A_583 = arith.constant 1.000000e+00 : f32
              %reduce_or3A_584 = arith.constant 0.000000e+00 : f32
              %reduce_or3A_585 = vector.broadcast %reduce_or3A_583 : f32 to vector<16xf32>
              %reduce_or3A_586 = vector.broadcast %reduce_or3A_584 : f32 to vector<16xf32>
              %reduce_or3A_587 = arith.select %gt3A_582, %reduce_or3A_585, %reduce_or3A_586 : vector<16xi1>, vector<16xf32>
              %reduce_or3A_588 = arith.constant true
              %reduce_or3A_589 = vector.broadcast %reduce_or3A_588 : i1 to vector<16xi1>
              %reduce_or3A_590 = tpu.scan <max>, %reduce_or3A_587 masked %reduce_or3A_589 : vector<16xf32>, vector<16xi1> -> vector<16xf32>
              %reduce_or3A_591 = vector.extract %reduce_or3A_590[15] : f32 from vector<16xf32>
              %reduce_or3A_592 = arith.constant 0.000000e+00 : f32
              %reduce_or3A_593 = arith.cmpf ogt, %reduce_or3A_591, %reduce_or3A_592 : f32
              %convert_element_type3A_594 = arith.extui %reduce_or3A_593 : i1 to i32
              %cond3A_595 = arith.constant 0 : i32
              %cond3A_596 = arith.cmpi ne, %convert_element_type3A_594, %cond3A_595 : i32
              %cond3A_597:3 = scf.if %cond3A_596 -> (vector<16xf32>, vector<16xi32>, vector<16xf32>) {
                %scan3A_598 = arith.constant 0 : i32
                %scan3A_599 = arith.constant 8 : i32
                %scan3A_600 = arith.addi %scan3A_598, %scan3A_599 : i32
                %scan3A_601 = arith.constant 1 : i32
                %scan3A_602:3 = scf.for %scan3A_604 = %scan3A_598 to %scan3A_600 step %scan3A_601 iter_args(%scan3A_605 = %scan3A_531, %scan3A_606 = %scan3A_532, %scan3A_607 = %scan3A_533) -> (vector<16xf32>, vector<16xi32>, vector<16xf32>)  : i32 {
                  %mul3A_608 = arith.constant 16 : i32
                  %mul3A_609 = arith.muli %scan3A_604, %mul3A_608 : i32
                  %add3A_610 = arith.addi %add3A_536, %mul3A_609 : i32
                  %add3A_611 = arith.addi %mul3A_108, %add3A_610 : i32
                  %get3A_612 = arith.index_cast %add3A_611 : i32 to index
                  %get3A_613 = tpu.vector_load %arg6[%get3A_612] {strides = array<i32>} : memref<65536xf32, #tpu.memory_space<vmem>>, vector<16xf32>,
                  %mul3A_614 = arith.constant 32768 : i32
                  %mul3A_615 = arith.muli %scan3A_101, %mul3A_614 : i32
                  %add3A_616 = arith.addi %mul3A_615, %add3A_610 : i32
                  %iota3A_617 = tpu.iota {dimensions = array<i32: 0>} : vector<16xi32>
                  %add3A_618 = vector.broadcast %add3A_616 : i32 to vector<16xi32>
                  %add3A_619 = arith.addi %add3A_618, %iota3A_617 : vector<16xi32>
                  %shift_right_logical3A_620 = arith.constant 18 : i32
                  %shift_right_logical3A_621 = vector.broadcast %shift_right_logical3A_620 : i32 to vector<16xi32>
                  %shift_right_logical3A_622 = arith.shrui %add3A_619, %shift_right_logical3A_621 : vector<16xi32>
                  %and3A_623 = arith.constant 262143 : i32
                  %and3A_624 = vector.broadcast %and3A_623 : i32 to vector<16xi32>
                  %and3A_625 = arith.andi %add3A_619, %and3A_624 : vector<16xi32>
                  %shift_right_logical3A_626 = arith.constant 10 : i32
                  %shift_right_logical3A_627 = vector.broadcast %shift_right_logical3A_626 : i32 to vector<16xi32>
                  %shift_right_logical3A_628 = arith.shrui %and3A_625, %shift_right_logical3A_627 : vector<16xi32>
                  %shift_right_logical3A_629 = arith.constant 7 : i32
                  %shift_right_logical3A_630 = vector.broadcast %shift_right_logical3A_629 : i32 to vector<16xi32>
                  %shift_right_logical3A_631 = arith.shrui %and3A_625, %shift_right_logical3A_630 : vector<16xi32>
                  %and3A_632 = arith.constant 7 : i32
                  %and3A_633 = vector.broadcast %and3A_632 : i32 to vector<16xi32>
                  %and3A_634 = arith.andi %shift_right_logical3A_631, %and3A_633 : vector<16xi32>
                  %and3A_635 = arith.constant 127 : i32
                  %and3A_636 = vector.broadcast %and3A_635 : i32 to vector<16xi32>
                  %and3A_637 = arith.andi %and3A_625, %and3A_636 : vector<16xi32>
                  %shift_left3A = arith.constant 3 : i32
                  %shift_left3A_638 = vector.broadcast %shift_left3A : i32 to vector<16xi32>
                  %shift_left3A_639 = arith.shli %shift_right_logical3A_622, %shift_left3A_638 : vector<16xi32>
                  %add3A_640 = arith.addi %shift_left3A_639, %and3A_634 : vector<16xi32>
                  %shift_left3A_641 = arith.constant 15 : i32
                  %shift_left3A_642 = vector.broadcast %shift_left3A_641 : i32 to vector<16xi32>
                  %shift_left3A_643 = arith.shli %add3A_640, %shift_left3A_642 : vector<16xi32>
                  %shift_left3A_644 = arith.constant 7 : i32
                  %shift_left3A_645 = vector.broadcast %shift_left3A_644 : i32 to vector<16xi32>
                  %shift_left3A_646 = arith.shli %shift_right_logical3A_628, %shift_left3A_645 : vector<16xi32>
                  %add3A_647 = arith.addi %shift_left3A_643, %shift_left3A_646 : vector<16xi32>
                  %add3A_648 = arith.addi %add3A_647, %and3A_637 : vector<16xi32>
                  %masked_sort3A = arith.constant dense<true> : vector<16xi1>
                  %masked_sort3A_649, %masked_sort3A_650, %masked_sort3A_651 = tpu.sort %get3A_613, %add3A_648 masked %masked_sort3A : (vector<16xf32>, vector<16xi32>, vector<16xi1>) -> (vector<16xi1>, vector<16xf32>, vector<16xi32>)
                  %rev3A_652 = arith.constant 15 : i32
                  %rev3A_653 = vector.broadcast %rev3A_652 : i32 to vector<16xi32>
                  %rev3A_654 = tpu.iota {dimensions = array<i32: 0>} : vector<16xi32>
                  %rev3A_655 = arith.subi %rev3A_653, %rev3A_654 : vector<16xi32>
                  %rev3A_656 = tpu.dynamic_gather %masked_sort3A_650[%rev3A_655] in [0] : vector<16xf32>, vector<16xi32> -> vector<16xf32>
                  %rev3A_657 = arith.constant 15 : i32
                  %rev3A_658 = vector.broadcast %rev3A_657 : i32 to vector<16xi32>
                  %rev3A_659 = tpu.iota {dimensions = array<i32: 0>} : vector<16xi32>
                  %rev3A_660 = arith.subi %rev3A_658, %rev3A_659 : vector<16xi32>
                  %rev3A_661 = tpu.dynamic_gather %masked_sort3A_651[%rev3A_660] in [0] : vector<16xi32>, vector<16xi32> -> vector<16xi32>
                  %ge3A = arith.cmpf oge, %scan3A_605, %rev3A_656 : vector<16xf32>
                  %select_n3A = arith.select %ge3A, %scan3A_605, %rev3A_656 : vector<16xi1>, vector<16xf32>
                  %select_n3A_662 = arith.select %ge3A, %scan3A_606, %rev3A_661 : vector<16xi1>, vector<16xi32>
                  %masked_sort3A_663 = arith.constant dense<true> : vector<16xi1>
                  %masked_sort3A_664, %masked_sort3A_665, %masked_sort3A_666 = tpu.sort %select_n3A, %select_n3A_662 masked %masked_sort3A_663 : (vector<16xf32>, vector<16xi32>, vector<16xi1>) -> (vector<16xi1>, vector<16xf32>, vector<16xi32>)
                  %reduce_min3A = arith.constant true
                  %reduce_min3A_667 = vector.broadcast %reduce_min3A : i1 to vector<16xi1>
                  %reduce_min3A_668 = tpu.scan <min>, %masked_sort3A_665 masked %reduce_min3A_667 : vector<16xf32>, vector<16xi1> -> vector<16xf32>
                  %reduce_min3A_669 = vector.extract %reduce_min3A_668[15] : f32 from vector<16xf32>
                  %broadcast_in_dim3A_670 = vector.broadcast %reduce_min3A_669 : f32 to vector<16xf32>
                  scf.yield %masked_sort3A_665, %masked_sort3A_666, %broadcast_in_dim3A_670 : vector<16xf32>, vector<16xi32>, vector<16xf32>
                }
                %scan3A_603 = arith.constant 8 : i32
                scf.yield %scan3A_602#0, %scan3A_602#1, %scan3A_602#2 : vector<16xf32>, vector<16xi32>, vector<16xf32>
              } else {
                scf.yield %scan3A_531, %scan3A_532, %scan3A_533 : vector<16xf32>, vector<16xi32>, vector<16xf32>
              }
              scf.yield %cond3A_597#0, %cond3A_597#1, %cond3A_597#2 : vector<16xf32>, vector<16xi32>, vector<16xf32>
            }
            %scan3A_529 = arith.constant 8 : i32
            scf.yield %scan3A_528#0, %scan3A_528#1, %scan3A_528#2 : vector<16xf32>, vector<16xi32>, vector<16xf32>
          } else {
            scf.yield %scan3A_126, %scan3A_127, %scan3A_128 : vector<16xf32>, vector<16xi32>, vector<16xf32>
          }
          scf.yield %cond3A_523#0, %cond3A_523#1, %cond3A_523#2 : vector<16xf32>, vector<16xi32>, vector<16xf32>
        }
        %scan3A_124 = arith.constant 32 : i32
        scf.yield %scan3A_123#0, %scan3A_123#1, %scan3A_123#2 : vector<16xf32>, vector<16xi32>, vector<16xf32>
      }
      %scan3A_35 = arith.constant 16 : i32
      %rev3A = arith.constant 15 : i32
      %rev3A_36 = vector.broadcast %rev3A : i32 to vector<16xi32>
      %rev3A_37 = tpu.iota {dimensions = array<i32: 0>} : vector<16xi32>
      %rev3A_38 = arith.subi %rev3A_36, %rev3A_37 : vector<16xi32>
      %rev3A_39 = tpu.dynamic_gather %scan3A_34#0[%rev3A_38] in [0] : vector<16xf32>, vector<16xi32> -> vector<16xf32>
      %rev3A_40 = arith.constant 15 : i32
      %rev3A_41 = vector.broadcast %rev3A_40 : i32 to vector<16xi32>
      %rev3A_42 = tpu.iota {dimensions = array<i32: 0>} : vector<16xi32>
      %rev3A_43 = arith.subi %rev3A_41, %rev3A_42 : vector<16xi32>
      %rev3A_44 = tpu.dynamic_gather %scan3A_34#1[%rev3A_43] in [0] : vector<16xi32>, vector<16xi32> -> vector<16xi32>
      %shift_right_logical3A = arith.constant 15 : i32
      %shift_right_logical3A_45 = vector.broadcast %shift_right_logical3A : i32 to vector<16xi32>
      %shift_right_logical3A_46 = arith.shrui %rev3A_44, %shift_right_logical3A_45 : vector<16xi32>
      %and3A = arith.constant 32767 : i32
      %and3A_47 = vector.broadcast %and3A : i32 to vector<16xi32>
      %and3A_48 = arith.andi %rev3A_44, %and3A_47 : vector<16xi32>
      %iota3A = tpu.iota {dimensions = array<i32: 0>} : vector<16xi32>
      %mul3A_49 = arith.constant 3 : i32
      %mul3A_50 = vector.broadcast %mul3A_49 : i32 to vector<16xi32>
      %mul3A_51 = arith.muli %shift_right_logical3A_46, %mul3A_50 : vector<16xi32>
      %add3A_52 = arith.constant 0 : i32
      %add3A_53 = vector.broadcast %add3A_52 : i32 to vector<16xi32>
      %add3A_54 = arith.addi %mul3A_51, %add3A_53 : vector<16xi32>
      %gather3A = tpu.vector_load_idx %arg7[%add3A_54] : memref<48xi32, #tpu.memory_space<vmem>>[vector<16xi32>], vector<16xi32>,
      %mul3A_55 = arith.constant 4 : i32
      %mul3A_56 = vector.broadcast %mul3A_55 : i32 to vector<16xi32>
      %mul3A_57 = arith.muli %iota3A, %mul3A_56 : vector<16xi32>
      %add3A_58 = arith.constant 0 : i32
      %add3A_59 = vector.broadcast %add3A_58 : i32 to vector<16xi32>
      %add3A_60 = arith.addi %mul3A_57, %add3A_59 : vector<16xi32>
      tpu.vector_store_idx %arg8[%add3A_60], %gather3A : memref<64xi32, #tpu.memory_space<vmem>>[vector<16xi32>], vector<16xi32>,
      %mul3A_61 = arith.constant 3 : i32
      %mul3A_62 = vector.broadcast %mul3A_61 : i32 to vector<16xi32>
      %mul3A_63 = arith.muli %shift_right_logical3A_46, %mul3A_62 : vector<16xi32>
      %add3A_64 = arith.constant 1 : i32
      %add3A_65 = vector.broadcast %add3A_64 : i32 to vector<16xi32>
      %add3A_66 = arith.addi %mul3A_63, %add3A_65 : vector<16xi32>
      %gather3A_67 = tpu.vector_load_idx %arg7[%add3A_66] : memref<48xi32, #tpu.memory_space<vmem>>[vector<16xi32>], vector<16xi32>,
      %mul3A_68 = arith.constant 4 : i32
      %mul3A_69 = vector.broadcast %mul3A_68 : i32 to vector<16xi32>
      %mul3A_70 = arith.muli %iota3A, %mul3A_69 : vector<16xi32>
      %add3A_71 = arith.constant 1 : i32
      %add3A_72 = vector.broadcast %add3A_71 : i32 to vector<16xi32>
      %add3A_73 = arith.addi %mul3A_70, %add3A_72 : vector<16xi32>
      tpu.vector_store_idx %arg8[%add3A_73], %gather3A_67 : memref<64xi32, #tpu.memory_space<vmem>>[vector<16xi32>], vector<16xi32>,
      %mul3A_74 = arith.constant 3 : i32
      %mul3A_75 = vector.broadcast %mul3A_74 : i32 to vector<16xi32>
      %mul3A_76 = arith.muli %shift_right_logical3A_46, %mul3A_75 : vector<16xi32>
      %add3A_77 = arith.constant 2 : i32
      %add3A_78 = vector.broadcast %add3A_77 : i32 to vector<16xi32>
      %add3A_79 = arith.addi %mul3A_76, %add3A_78 : vector<16xi32>
      %gather3A_80 = tpu.vector_load_idx %arg7[%add3A_79] : memref<48xi32, #tpu.memory_space<vmem>>[vector<16xi32>], vector<16xi32>,
      %mul3A_81 = arith.constant 4 : i32
      %mul3A_82 = vector.broadcast %mul3A_81 : i32 to vector<16xi32>
      %mul3A_83 = arith.muli %iota3A, %mul3A_82 : vector<16xi32>
      %add3A_84 = arith.constant 2 : i32
      %add3A_85 = vector.broadcast %add3A_84 : i32 to vector<16xi32>
      %add3A_86 = arith.addi %mul3A_83, %add3A_85 : vector<16xi32>
      tpu.vector_store_idx %arg8[%add3A_86], %gather3A_80 : memref<64xi32, #tpu.memory_space<vmem>>[vector<16xi32>], vector<16xi32>,
      %mul3A_87 = arith.constant 4 : i32
      %mul3A_88 = vector.broadcast %mul3A_87 : i32 to vector<16xi32>
      %mul3A_89 = arith.muli %iota3A, %mul3A_88 : vector<16xi32>
      %add3A_90 = arith.constant 3 : i32
      %add3A_91 = vector.broadcast %add3A_90 : i32 to vector<16xi32>
      %add3A_92 = arith.addi %mul3A_89, %add3A_91 : vector<16xi32>
      tpu.vector_store_idx %arg8[%add3A_92], %and3A_48 : memref<64xi32, #tpu.memory_space<vmem>>[vector<16xi32>], vector<16xi32>,
      %swap3A = arith.constant 0 : index
      %swap3A_93 = tpu.vector_load %arg9[%swap3A] {strides = array<i32>} : memref<16xf32, #tpu.memory_space<vmem>>, vector<16xf32>,
      tpu.vector_store %arg9[%swap3A], %rev3A_39 {strides = array<i32>} : memref<16xf32, #tpu.memory_space<vmem>>, vector<16xf32>,
      %mul3A_94 = arith.constant 16 : i32
      %mul3A_95 = arith.muli %add3A_11, %mul3A_94 : i32
      %mul3A_96 = arith.constant 4 : i32
      %mul3A_97 = arith.muli %mul3A_95, %mul3A_96 : i32
      "tpu.region"() ({
        %run_scoped3A = tpu.sem_alloc : memref<!tpu.dma_semaphore, #tpu.memory_space<semaphore_mem>>
        %dma_start3A_101 = tpu.memref_slice %arg4[%mul3A_97] : memref<4096xi32, #tpu.memory_space<hbm>> -> memref<64xi32, #tpu.memory_space<hbm>>
        %dma_start3A_102 = tpu.memref_slice %arg4[%mul3A_97] : memref<4096xi32, #tpu.memory_space<hbm>> -> memref<64xi32, #tpu.memory_space<hbm>>
        tpu.enqueue_dma source(%arg8 : memref<64xi32, #tpu.memory_space<vmem>>) target(%dma_start3A_102 : memref<64xi32, #tpu.memory_space<hbm>>) target_semaphore(%run_scoped3A : memref<!tpu.dma_semaphore, #tpu.memory_space<semaphore_mem>>)
        %dma_wait3A = tpu.memref_slice %arg4[%mul3A_97] : memref<4096xi32, #tpu.memory_space<hbm>> -> memref<64xi32, #tpu.memory_space<hbm>>
        %dma_wait3A_103 = tpu.memref_slice %arg4[%mul3A_97] : memref<4096xi32, #tpu.memory_space<hbm>> -> memref<64xi32, #tpu.memory_space<hbm>>
        tpu.wait_dma2 semaphore(%run_scoped3A : memref<!tpu.dma_semaphore, #tpu.memory_space<semaphore_mem>>) src(%arg8 : memref<64xi32, #tpu.memory_space<vmem>>) dst(%dma_wait3A_103 : memref<64xi32, #tpu.memory_space<hbm>>)
        tpu.yield
      }) : () -> ()
      %mul3A_98 = arith.constant 16 : i32
      %mul3A_99 = arith.muli %add3A_11, %mul3A_98 : i32
      "tpu.region"() ({
        %run_scoped3A = tpu.sem_alloc : memref<!tpu.dma_semaphore, #tpu.memory_space<semaphore_mem>>
        %dma_start3A_101 = tpu.memref_slice %arg5[%mul3A_99] : memref<1024xf32, #tpu.memory_space<hbm>> -> memref<16xf32, #tpu.memory_space<hbm>>
        %dma_start3A_102 = tpu.memref_slice %arg5[%mul3A_99] : memref<1024xf32, #tpu.memory_space<hbm>> -> memref<16xf32, #tpu.memory_space<hbm>>
        tpu.enqueue_dma source(%arg9 : memref<16xf32, #tpu.memory_space<vmem>>) target(%dma_start3A_102 : memref<16xf32, #tpu.memory_space<hbm>>) target_semaphore(%run_scoped3A : memref<!tpu.dma_semaphore, #tpu.memory_space<semaphore_mem>>)
        %dma_wait3A = tpu.memref_slice %arg5[%mul3A_99] : memref<1024xf32, #tpu.memory_space<hbm>> -> memref<16xf32, #tpu.memory_space<hbm>>
        %dma_wait3A_103 = tpu.memref_slice %arg5[%mul3A_99] : memref<1024xf32, #tpu.memory_space<hbm>> -> memref<16xf32, #tpu.memory_space<hbm>>
        tpu.wait_dma2 semaphore(%run_scoped3A : memref<!tpu.dma_semaphore, #tpu.memory_space<semaphore_mem>>) src(%arg9 : memref<16xf32, #tpu.memory_space<vmem>>) dst(%dma_wait3A_103 : memref<16xf32, #tpu.memory_space<hbm>>)
        tpu.yield
      }) : () -> ()
      %scan3A_100 = arith.constant 0 : i32
      scf.yield %scan3A_100 : i32
    }
    %scan3A_6 = arith.constant 2 : i32
    return
  }
}

</mosaic_0001>

<sc_bundles>
// kernel: kernel.3.cloned.1.call-start
scs
__scs_entry_jumppad:
0x0: {  	(pc) =	sbr.rel $0x88, $3  }
0x1: {  	(tag) =	ssettag $0x0;
	lr =	simm.s32 $0x1  }
0x2: {  	[smem:$0x3F9D] =	sst lr;
	_ =	strace $0xD0000000  }
0x3: {  	_ = 	snop  }
0x4: {  	_ = 	snop  }
0x5: {  	_ = 	snop  }
0x6: {  	_ = 	snop  }
0x7: {  	_ = 	snop  }
__scs_overlays_trampoline_lowered:
0x8: {  	[smem:$0x3FAC] =	sst s0  }
0x9: {  	[smem:$0x3FAD] =	sst s1  }
0xa: {  	[smem:$0x3FAE] =	sst s2  }
0xb: {  	[smem:$0x3FAF] =	sst s3  }
0xc: {  	[smem:$0x3FB0] =	sst s4  }
0xd: {  	[smem:$0x3FB1] =	sst s5  }
0xe: {  	[smem:$0x3FB2] =	sst s6  }
0xf: {  	[smem:$0x3FB3] =	sst s7  }
0x10: {  	[smem:$0x3FB4] =	sst s8  }
0x11: {  	[smem:$0x3FB5] =	sst s9;
	s0 =	simm.s32 @!p0 $0x0  }
0x12: {  	s1 =	sld [smem:$0x3F9B];
	s0 =	simm.s32 @p0 $0x1  }
0x13: {  	[smem:$0x3FB6] =	sst s0;
	s0 =	simm.s32 @!p1 $0x0  }
0x14: {  	s2 =	sld [smem:$0x3F9A];
	s0 =	simm.s32 @p1 $0x1  }
0x15: {  	[smem:$0x3FB7] =	sst s0;
	s0 =	simm.s32 @!p2 $0x0  }
0x16: {  	s3 =	sld [smem:$0x3FDB];
	s0 =	simm.s32 @p2 $0x1  }
0x17: {  	s4 =	simm.s32 $0x1BF5;
	[smem:$0x3FB9] =	sst s0  }
0x18: {  	s0 =	sld [smem:$0x3F9C];
	_ =	swait.ge [sflag:s4], $0x0  }
0x19: {  	s7 =	sld [smem:$0x3F9D]  }
0x1a: {  	s8 =	sadd.s32 $0xFFFFE003, lr  }
0x1b: {  	s9 =	sadd.s32 $0xFFFFFEF7, lr;
	s5 =	simm.s32 $0xFFFFFFFF;
	p2 =	slt.u32 s8, $0xFFFFF086  }
0x1c: {  	p1 =	slt.u32 s9, $0xF7A;
	s5 =	simm.s32 @!p2 $0x0  }
0x1d: {  	s5 =	simm.s32 @p1 $0x1;
	p0 =	seq.s32 s7, s2  }
0x1e: {  	s7 =	smul.u32 @!p0 $0xF7A, s2;
	p2 =	seq.s32 @!p0 s5, $0x0  }
0x1f: {  	s9 =	smul.u32 $0xF7A, s1;
	s8 =	simm.s32 @!p0 $0x1BF5;
	p2 =	por !p2, p0  }
0x20: {  	[sflag:s8] =	ssyncset.s32 @!p0 $0xFFFFF086;
	s6 =	sadd.s32 @!p0 s3, s7;
	s7 =	simm.s32 @!p0 $0x108  }
0x21: {  	s3 =	sadd.s32 s3, s9;
	s6 =	sadd.s32 @!p0 $0x88, s6;
	s7 =	simm.s32 @p2 $0x1082  }
0x22: {  	[simem:s7], [sflag:s8] =	dma.local @!p0 [hbm:s6], $0xF7A  }
0x23: {  	s9 =	sor.u32 $0xD0000000, s2;
	s6 =	simm.s32 $0x108;
	_ =	swait.ge @!p0 [sflag:s8], $0x0  }
0x24: {  	s3 =	sadd.s32 $0x88, s3;
	s6 =	simm.s32 @!p1 $0x1082;
	[sflag:s4] =	ssyncset.s32 $0xFFFFF086  }
0x25: {  	[simem:s6], [sflag:s4] =	dma.local [hbm:s3], $0xF7A  }
0x26: {  	[smem:$0x3F9D] =	sst s1;
	(tag) =	ssettag s2;
	_ =	strace s9  }
0x27: {  	s1 =	sld [smem:$0x3FAD]  }
0x28: {  	s2 =	sld [smem:$0x3FAE]  }
0x29: {  	s4 =	sld [smem:$0x3FB0]  }
0x2a: {  	p0 =	seq.s32 s5, $0x0;
	s5 =	sld [smem:$0x3FB1]  }
0x2b: {  	s6 =	sld [smem:$0x3FB2]  }
0x2c: {  	s7 =	sld [smem:$0x3FB3]  }
0x2d: {  	s3 =	simm.s32 $0x108;
	s8 =	sld [smem:$0x3FB4]  }
0x2e: {  	s3 =	simm.s32 @!p0 $0x1082;
	s9 =	sld [smem:$0x3FB5]  }
0x2f: {  	lr =	sadd.s32 s0, s3;
	s0 =	sld [smem:$0x3FAC]  }
0x30: {  	s3 =	sld [smem:$0x3FAF]  }
0x31: {  	[smem:$0x3FB8] =	sst s10  }
0x32: {  	s10 =	sld [smem:$0x3FB6];
	_ =	sdelay $0x3  }
0x33: {  	p0 =	seq.s32 s10, $0x1;
	s10 =	sld [smem:$0x3FB8];
	_ =	sdelay $0x3  }
0x34: {  	[smem:$0x3FB8] =	sst s10  }
0x35: {  	s10 =	sld [smem:$0x3FB7];
	_ =	sdelay $0x3  }
0x36: {  	p1 =	seq.s32 s10, $0x1;
	s10 =	sld [smem:$0x3FB8];
	_ =	sdelay $0x3  }
0x37: {  	[smem:$0x3FB8] =	sst s10  }
0x38: {  	s10 =	sld [smem:$0x3FB9]  }
0x39: {  	_ = 	snop;
	(pc) =	sbr.ind lr, $3  }
0x3a: {  	_ = 	snop  }
0x3b: {  	_ = 	snop  }
0x3c: {  	p2 =	seq.s32 s10, $0x1;
	s10 =	sld [smem:$0x3FB8]  }
0x3d: {  	_ =	shalt  }
0x3e: {  	_ =	shalt  }
0x3f: {  	_ =	shalt  }
0x40: {  	_ =	shalt  }
0x41: {  	_ =	shalt  }
0x42: {  	_ =	shalt  }
0x43: {  	_ =	shalt  }
0x44: {  	_ =	shalt  }
0x45: {  	_ =	shalt  }
0x46: {  	_ =	shalt  }
0x47: {  	_ =	shalt  }
0x48: {  	_ =	shalt  }
0x49: {  	_ =	shalt  }
0x4a: {  	_ =	shalt  }
0x4b: {  	_ =	shalt  }
0x4c: {  	_ =	shalt  }
0x4d: {  	_ =	shalt  }
0x4e: {  	_ =	shalt  }
0x4f: {  	_ =	shalt  }
0x50: {  	_ =	shalt  }
0x51: {  	_ =	shalt  }
0x52: {  	_ =	shalt  }
0x53: {  	_ =	shalt  }
0x54: {  	_ =	shalt  }
0x55: {  	_ =	shalt  }
0x56: {  	_ =	shalt  }
0x57: {  	_ =	shalt  }
0x58: {  	_ =	shalt  }
0x59: {  	_ =	shalt  }
0x5a: {  	_ =	shalt  }
0x5b: {  	_ =	shalt  }
0x5c: {  	_ =	shalt  }
0x5d: {  	_ =	shalt  }
0x5e: {  	_ =	shalt  }
0x5f: {  	_ =	shalt  }
0x60: {  	_ =	shalt  }
0x61: {  	_ =	shalt  }
0x62: {  	_ =	shalt  }
0x63: {  	_ =	shalt  }
0x64: {  	_ =	shalt  }
0x65: {  	_ =	shalt  }
0x66: {  	_ =	shalt  }
0x67: {  	_ =	shalt  }
0x68: {  	_ =	shalt  }
0x69: {  	_ =	shalt  }
0x6a: {  	_ =	shalt  }
0x6b: {  	_ =	shalt  }
0x6c: {  	_ =	shalt  }
0x6d: {  	_ =	shalt  }
0x6e: {  	_ =	shalt  }
0x6f: {  	_ =	shalt  }
0x70: {  	_ =	shalt  }
0x71: {  	_ =	shalt  }
0x72: {  	_ =	shalt  }
0x73: {  	_ =	shalt  }
0x74: {  	_ =	shalt  }
0x75: {  	_ =	shalt  }
0x76: {  	_ =	shalt  }
0x77: {  	_ =	shalt  }
0x78: {  	_ =	shalt  }
0x79: {  	_ =	shalt  }
0x7a: {  	_ =	shalt  }
0x7b: {  	_ =	shalt  }
0x7c: {  	_ =	shalt  }
0x7d: {  	_ =	shalt  }
0x7e: {  	_ =	shalt  }
0x7f: {  	_ =	shalt  }
0x80: {  	_ =	shalt  }
0x81: {  	_ =	shalt  }
0x82: {  	_ =	shalt  }
0x83: {  	_ =	shalt  }
0x84: {  	_ =	shalt  }
0x85: {  	_ =	shalt  }
0x86: {  	_ =	shalt  }
0x87: {  	_ =	shalt  }
.Lfunc_end0:
.L_simem_size_0:
called_computation_lowered:
.L_overlay_start_0:
0x88: {  	s2 =	sld [smem:$0x3FD9]  }
0x89: {  	s3 =	sld [smem:$0x3FFE];
	_ =	sdelay $0x1  }
0x8a: {  	s1 =	srdreg.scid  }
0x8b: {  	s0 =	sand.u32 $0x1, s1  }
0x8c: {  	s14 =	sshll.u32 s0, $0xA;
	s2 =	sadd.s32 s3, s2  }
0x8d: {  	s2 =	sadd.s32 s2, s14  }
0x8e: {  	[smem:$0x3FC4] =	sst s2  }
0x8f: {  	_ = 	snop  }
0x90: {  	s2 =	sld [smem:$0x3FD0];
	_ =	sdelay $0x2  }
0x91: {  	s15 =	simm.s32 $0xA;
	s4 =	simm.s32 $0x10  }
0x92: {  	[smem:s4], [sflag:s15] =	dma.local [hbm:s2], $0x1  }
0x93: {  	_ =	swait.eq [sflag:s15], $0x1  }
0x94: {  	[sflag:s15] =	ssyncset.done $0x0  }
0x95: {  	s16 =	sld [smem:$0x10];
	[sflag:s15] =	ssyncadd.s32 $0xFFFFFFFF  }
0x96: {  	s17 =	sld [smem:$0x11];
	(tm) =	ssettm $0x1  }
0x97: {  	s18 =	sld [smem:$0x3FFB];
	_ =	sdelay $0x3  }
0x98: {  	_ =	strace s18  }
0x99: {  	s4 =	sld [smem:$0x3FFC];
	_ =	sdelay $0x3  }
0x9a: {  	_ =	strace s4  }
0x9b: {  	s4 =	sld [smem:$0x3FFD];
	_ =	sdelay $0x3  }
0x9c: {  	_ =	strace s4  }
0x9d: {  	_ =	strace $0x8FFFFFFF  }
0x9e: {  	s19 =	sld [smem:$0x3FDB];
	_ =	sdelay $0x1  }
0x9f: {  	s5 =	simm.s32 $_scs_section_size  }
0xa0: {  	s6 =	simm.s32 $_size__tile_overlayer_lowered;
	s7 =	simm.s32 $_tile_overlayer_lowered  }
0xa1: {  	s22 =	simm.s32 $0x1BFF;
	s21 =	sshll.u32 s7, $0x1;
	s4 =	sadd.s32 s5, s19  }
0xa2: {  	s8 =	simm.s32 $0x0;
	s20 =	sshll.u32 s6, $0x1;
	s6 =	sadd.s32 s21, s4  }
0xa3: {  	[timem:s8], [sflag:s22] =	dma.local [hbm:s6], s20  }
0xa4: {  	_ =	swait.ge [sflag:s22], s20  }
0xa5: {  	s5 =	ssub.s32 $0x0, s20;
	[sflag:s22] =	ssyncset.done $0x0  }
0xa6: {  	[sflag:s22] =	ssyncadd.s32 s5;
	_ =	sdelay $0x1  }
0xa7: {  	s23 =	simm.s32 $0x1B8B  }
0xa8: {  	_ =	swait.ge [sflag:s23], $0x1  }
0xa9: {  	[sflag:s23] =	ssyncset.done $0x0  }
0xaa: {  	s25 =	simm.s32 $0x1B8E;
	s24 =	sld [smem:$0x3FFE];
	[sflag:s23] =	ssyncadd.s32 $0xFFFFFFFF  }
0xab: {  	s26 =	simm.s32 $execute0_lowered;
	[smem:$0x3FD2] =	sst s25  }
0xac: {  	s6 =	sshll.u32 s26, $0x1;
	_ =	strace $0x80000046;
	[dreg:$0x1] =	wrdreg $0xFFFFFFFF  }
0xad: {  	s28 =	simm.s32 $_size_execute0_lowered;
	s4 =	sadd.s32 s4, s6;
	[dreg:$0x0] =	wrdreg $0x0  }
0xae: {  	s6 =	sshll.u32 s28, $0x1;
	[dreg:$0x2] =	wrdreg s4  }
0xaf: {  	[dreg:$0x3] =	wrdreg s6  }
0xb0: {  	[dreg:$0x4] =	wrdreg $0xC0  }
0xb1: {  	_ =	task [dreg:s8], $0x5FFFF  }
0xb2: {  	[dreg:$0x1] =	wrdreg $0xFFFFFFFF  }
0xb3: {  	[dreg:$0x0] =	wrdreg $0x60  }
0xb4: {  	[dreg:$0x2] =	wrdreg s24  }
0xb5: {  	[dreg:$0x3] =	wrdreg s16  }
0xb6: {  	[dreg:$0x4] =	wrdreg s17  }
0xb7: {  	[dreg:$0x5] =	wrdreg $0x9  }
0xb8: {  	_ =	task.clear_ibuf [dreg:s8], $0x6FFFF;
	_ =	strace $0x90000046  }
0xb9: {  	s29 =	simm.s32 $0x9;
	_ =	strace $0x80000048  }
0xba: {  	_ =	swait.ge [sflag:s29], $0x1  }
0xbb: {  	[sflag:s29] =	ssyncadd.s32 $0xFFFFFFFF  }
0xbc: {  	_ =	strace $0x90000048  }
0xbd: {  	_ =	sfence  }
0xbe: {  	s30 =	sld [smem:$0x0];
	_ =	sdelay $0x2  }
0xbf: {  	s31 =	sshll.u32 s1, $0xD;
	s1 =	sshrl.u32 s1, $0x2  }
0xc0: {  	s3 =	sand.u32 $0x4000, s31;
	s1 =	sadd.s32 s1, s30  }
0xc1: {  	s0 =	sor.u32 s3, s0;
	s1 =	sshll.u32 s1, $0x11  }
0xc2: {  	s0 =	sor.u32 s1, s0  }
0xc3: {  	s0 =	sadd.s32 $0x8F2B, s0  }
0xc4: {  	[sflag:s0] =	ssyncadd.remote.s32 $0x1  }
0xc5: {  	_ =	sfence.sel $0xFFFF  }
0xc6: {  	[dreg:$0x0] =	wrdreg $0xFFFFFFFF;
	(pc) =	sbr.abs _section_cstart, $3  }
0xc7: {  	[dreg:$0x1] =	wrdreg $0xFFFFFFFF  }
0xc8: {  	_ =	task.clear_ibuf [dreg:s8], $0x2FFFF;
	_ =	strace $0x9FFFFFFF  }
0xc9: {  	(tm) =	ssettm $0x7FFFFFFF  }
tec
execute0_lowered:
.L_overlay_start_1:
0x0: {  	(tag) =	ssettag $0x1  }
0x1: {  	s6 =	rddreg [dreg:$0x0]  }
0x2: {  	s1 =	rddreg [dreg:$0x1]  }
0x3: {  	s2 =	rddreg [dreg:$0x2]  }
0x4: {  	s0 =	rddreg [dreg:$0x3];
	s3 =	simm.s32 $0x0  }
0x5: {  	s4 =	srdreg.scid;
	s10 =	simm.s32 $0x2;
	s11 =	simm.s32 $0x1  }
0x6: {  	s12 =	simm.s32 $0x10080;
	s13 =	simm.s32 $0x10100;
	s14 =	simm.s32 $0x0  }
.Ltmp0:
0x7: {  	v0 =	vlaneseq.u32;
	[smem:$0x7FF] =	sst s3;
	s7 =	sand.u32 $0x1, s4;
	(pc) =	sbr.rel .LBB2_1-.Ltmp0, $4  }
0x8: {  	s5 =	sadd.s32 $0xA00, s6;
	s4 =	stileid.u32;
	v3 =	vmul.u32 $0xFFFFFFFF, v0;
	s8 =	ssub.s32 $0x2, s7  }
0x9: {  	s6 =	sadd.s32 $0x800, s6;
	v1 =	vmul.u32 $0x4, v0;
	_ =	strace $0x80000047;
	s9 =	sshrl.u32 s8, $0x1  }
0xa: {  	v2 =	vimm.f32 $0.0e+00;
	s31 =	sshll.u32 s4, $0x2;
	s7 =	sshll.u32 s7, $0x1;
	v3 =	vadd.s32 $0xF, v3;
	s8 =	ssub.s32 s8, s9  }
0xb: {  	s7 =	sor.u32 s7, s31;
	v4 =	vor.u32 $0x1, v1;
	v5 =	vor.u32 $0x2, v1;
	v6 =	vor.u32 $0x3, v1;
	s9 =	simm.s32 $0x10000;
	s8 =	smax.u32 s8, $0x1  }
.LBB2_13:
0xc: {  	s14 =	sadd.s32 $0x1, s14  }
0xd: {  	p0 =	sne.s32 s14, s8  }
.Ltmp1:
0xe: {  	_ = 	snop;
	(pc) =	sbr.rel @!p0 .LBB2_14-.Ltmp1, $1  }
0xf: {  	_ =	sdelay $0x3  }
.LBB2_1:
.Ltmp2:
0x10: {  	(pc) =	sbr.rel .LBB2_2-.Ltmp2, $2  }
0x11: {  	_ =	sdelay $0x2  }
0x12: {  	p1 =	por $0x1, $0x1;
	s15 =	simm.s32 $0x0  }
.LBB2_12:
0x13: {  	v7 =	vperm.xlane v9, v3;
	_ =	sdelay $0x1  }
0x14: {  	v9 =	vshrl.u32 v7, $0xF  }
0x15: {  	v9 =	vmul.u32 $0x3, v9;
	_ =	sdelay $0x5  }
0x16: {  	v10 =	vld.idx.msk [tilespmem:v9+s9+$0x0], $0xffff  }
0x17: {  	v11 =	vadd.s32 $0x1, v9;
	_ =	sdelay $0x3  }
0x18: {  	[tilespmem:v1+s12+$0x0] =	vst.idx.msk $0xffff, v10  }
0x19: {  	v10 =	vld.idx.msk [tilespmem:v11+s9+$0x0], $0xffff  }
0x1a: {  	v9 =	vadd.s32 $0x2, v9;
	_ =	sdelay $0x3  }
0x1b: {  	[tilespmem:v4+s12+$0x0] =	vst.idx.msk $0xffff, v10  }
0x1c: {  	v9 =	vld.idx.msk [tilespmem:v9+s9+$0x0], $0xffff;
	_ =	sdelay $0x4  }
0x1d: {  	v8 =	vperm.xlane v8, v3;
	v7 =	vand.u32 $0x7FFF, v7;
	[tilespmem:v5+s12+$0x0] =	vst.idx.msk $0xffff, v9  }
0x1e: {  	s16 =	sshll.u32 s15, $0x3;
	[tilespmem:v6+s12+$0x0] =	vst.idx.msk $0xffff, v7  }
0x1f: {  	s16 =	sadd.s32 s1, s16;
	[tilespmem:$0x10100] =	vst v8  }
0x20: {  	[hbm4b:s16+s3] =	stream.linear.scatter [tilespmem:s12], [sflag:$0x2], $0x40, $0x38;
	[tilespmem:$0x10180] =	vst v63  }
0x21: {  	_ =	swait.ge [sflag:s10], $0x40  }
0x22: {  	s31 =	sshll.u32 s15, $0x1;
	[sflag:s10] =	ssyncset.done $0x0  }
.Ltmp3:
0x23: {  	s15 =	sadd.s32 s2, s31;
	[sflag:s10] =	ssyncadd.s32 $0xFFFFFFC0;
	(pc) =	sbr.rel @!p0 .LBB2_13-.Ltmp3, $4  }
0x24: {  	[hbm4b:s15+s3] =	stream.linear.scatter [tilespmem:s13], [sflag:$0x2], $0x10, $0x38;
	[tilespmem:$0x10180] =	vst v63  }
0x25: {  	_ =	swait.ge [sflag:s10], $0x10  }
0x26: {  	[sflag:s10] =	ssyncset.done $0x0  }
0x27: {  	p1 =	por $0x0, $0x0;
	s15 =	simm.s32 $0x1;
	[sflag:s10] =	ssyncadd.s32 $0xFFFFFFF0  }
.LBB2_2:
0x28: {  	s15 =	sor.u32 s7, s15  }
0x29: {  	s16 =	smul.u32 $0x6, s15;
	_ =	sdelay $0x1  }
0x2a: {  	s17 =	sadd.s32 s6, s16;
	s16 =	simm.s32 $0x0  }
0x2b: {  	[tilespmem:s9], [sflag:$0x2] =	stream.linear.gather [hbm4b:s17+s16], $0x30, $0x38;
	[tilespmem:$0x10180] =	vst v63  }
.Ltmp4:
0x2c: {  	_ = 	snop;
	(pc) =	sbr.rel .LBB2_4-.Ltmp4, $4  }
0x2d: {  	p0 =	por p1, p1;
	_ =	swait.ge [sflag:s10], $0x30  }
0x2e: {  	p1 =	por $0x0, $0x0;
	s31 =	sshll.u32 s15, $0x10;
	[sflag:s10] =	ssyncset.done $0x0  }
0x2f: {  	s18 =	simm.s32 $0x0;
	s17 =	sadd.s32 s5, s31;
	[sflag:s10] =	ssyncadd.s32 $0xFFFFFFD0  }
0x30: {  	v9 =	vimm.s32 $0x0;
	v10 =	vimm.f32 $-Inf;
	v8 =	vimm.f32 $-Inf;
	[tilespmem:s16], [sflag:$0x1] =	stream.linear.gather [hbm4b:s17+s16], $0x8000, $0x38;
	[tilespmem:$0x10180] =	vst v63  }
.LBB2_3:
0x31: {  	p2 =	seq.s32 s18, $0x10  }
.Ltmp5:
0x32: {  	_ = 	snop;
	(pc) =	sbr.rel @p2 .LBB2_12-.Ltmp5, $2  }
0x33: {  	_ =	sdelay $0x2  }
0x34: {  	s16 =	sadd.s32 $0x8000, s16;
	p1 =	por !p1, !p1  }
.LBB2_4:
0x35: {  	s19 =	smov.u32 s18  }
0x36: {  	s20 =	simm.s32 $0x1;
	s21 =	sshll.u32 s18, $0xF;
	_ =	swait.ge [sflag:s11], $0x8000  }
0x37: {  	s18 =	sadd.s32 $0x1, s18;
	[sflag:s11] =	ssyncset.done $0x0;
	p2 =	seq.s32 s19, $0xF  }
.Ltmp6:
0x38: {  	s20 =	simm.s32 @!p1 $0x0;
	s21 =	sand.u32 $0x8000, s21;
	(pc) =	sbr.rel .LBB2_5-.Ltmp6, $4  }
0x39: {  	[sflag:s11] =	ssyncadd.s32 $0xFFFF8000;
	s19 =	sshll.u32 @!p2 s18, $0xF;
	s22 =	sshll.u32 @!p2 s18, $0xC  }
0x3a: {  	s23 =	simm.s32 @!p2 $0x0;
	s19 =	sand.u32 @!p2 $0x8000, s19;
	s22 =	sadd.s32 @!p2 s22, s17  }
0x3b: {  	[tilespmem:s19], [sflag:$0x1] =	stream.linear.gather @!p2 [hbm4b:s22+s23], $0x8000, $0x38;
	[tilespmem:$0x10180] =	vst v63  }
0x3c: {  	v7 =	vmov s21;
	s21 =	simm.s32 $0x0;
	s19 =	sshll.u32 s20, $0xF;
	s20 =	smov.u32 s16  }
.LBB2_11:
0x3d: {  	s21 =	sadd.s32 $0x1, s21  }
0x3e: {  	p2 =	seq.s32 s21, $0x20  }
.Ltmp7:
0x3f: {  	_ = 	snop;
	(pc) =	sbr.rel @p2 .LBB2_3-.Ltmp7, $2  }
0x40: {  	_ =	sdelay $0x2  }
0x41: {  	s20 =	sadd.s32 $0x400, s20;
	s19 =	sadd.s32 $0x400, s19  }
.LBB2_5:
0x42: {  	_ =	sdelay $0x2  }
0x43: {  	s22 =	sshll.u32 s21, $0xA  }
0x44: {  	v11 =	vld.idx.msk [tilespmem:v7+s22+$0x0 ss:$0x1], $0xffff  }
0x45: {  	v12 =	vld.idx.msk [tilespmem:v7+s22+$0x10 ss:$0x1], $0xffff  }
0x46: {  	v13 =	vld.idx.msk [tilespmem:v7+s22+$0x20 ss:$0x1], $0xffff  }
0x47: {  	v14 =	vld.idx.msk [tilespmem:v7+s22+$0x30 ss:$0x1], $0xffff  }
0x48: {  	v15 =	vld.idx.msk [tilespmem:v7+s22+$0x40 ss:$0x1], $0xffff  }
0x49: {  	v16 =	vld.idx.msk [tilespmem:v7+s22+$0x50 ss:$0x1], $0xffff  }
0x4a: {  	v50 =	vld.idx.msk [tilespmem:v7+s22+$0x60 ss:$0x1], $0xffff;
	v11 =	vmax.f32 v11, v12  }
0x4b: {  	v51 =	vld.idx.msk [tilespmem:v7+s22+$0x70 ss:$0x1], $0xffff;
	v11 =	vmax.f32 v11, v13  }
0x4c: {  	v52 =	vld.idx.msk [tilespmem:v7+s22+$0x80 ss:$0x1], $0xffff;
	v11 =	vmax.f32 v11, v14  }
0x4d: {  	v53 =	vld.idx.msk [tilespmem:v7+s22+$0x90 ss:$0x1], $0xffff;
	v11 =	vmax.f32 v11, v15  }
0x4e: {  	v54 =	vld.idx.msk [tilespmem:v7+s22+$0xA0 ss:$0x1], $0xffff;
	v11 =	vmax.f32 v11, v16  }
0x4f: {  	v55 =	vld.idx.msk [tilespmem:v7+s22+$0xB0 ss:$0x1], $0xffff;
	v11 =	vmax.f32 v11, v50  }
0x50: {  	v56 =	vld.idx.msk [tilespmem:v7+s22+$0xC0 ss:$0x1], $0xffff;
	v11 =	vmax.f32 v11, v51  }
0x51: {  	v57 =	vld.idx.msk [tilespmem:v7+s22+$0xD0 ss:$0x1], $0xffff;
	v11 =	vmax.f32 v11, v52  }
0x52: {  	v58 =	vld.idx.msk [tilespmem:v7+s22+$0xE0 ss:$0x1], $0xffff;
	v11 =	vmax.f32 v11, v53  }
0x53: {  	v59 =	vld.idx.msk [tilespmem:v7+s22+$0xF0 ss:$0x1], $0xffff;
	v11 =	vmax.f32 v11, v54  }
0x54: {  	v60 =	vld.idx.msk [tilespmem:v7+s22+$0x100 ss:$0x1], $0xffff;
	v11 =	vmax.f32 v11, v55  }
0x55: {  	v61 =	vld.idx.msk [tilespmem:v7+s22+$0x110 ss:$0x1], $0xffff;
	v11 =	vmax.f32 v11, v56  }
0x56: {  	v62 =	vld.idx.msk [tilespmem:v7+s22+$0x120 ss:$0x1], $0xffff;
	v11 =	vmax.f32 v11, v57  }
0x57: {  	v63 =	vld.idx.msk [tilespmem:v7+s22+$0x130 ss:$0x1], $0xffff;
	v11 =	vmax.f32 v11, v58  }
0x58: {  	v20 =	vld.idx.msk [tilespmem:v7+s22+$0x140 ss:$0x1], $0xffff;
	v11 =	vmax.f32 v11, v59  }
0x59: {  	v21 =	vld.idx.msk [tilespmem:v7+s22+$0x150 ss:$0x1], $0xffff;
	v11 =	vmax.f32 v11, v60  }
0x5a: {  	v22 =	vld.idx.msk [tilespmem:v7+s22+$0x160 ss:$0x1], $0xffff;
	v11 =	vmax.f32 v11, v61  }
0x5b: {  	v23 =	vld.idx.msk [tilespmem:v7+s22+$0x170 ss:$0x1], $0xffff;
	v11 =	vmax.f32 v11, v62  }
0x5c: {  	v24 =	vld.idx.msk [tilespmem:v7+s22+$0x180 ss:$0x1], $0xffff;
	v11 =	vmax.f32 v11, v63  }
0x5d: {  	v25 =	vld.idx.msk [tilespmem:v7+s22+$0x190 ss:$0x1], $0xffff;
	v11 =	vmax.f32 v11, v20  }
0x5e: {  	v26 =	vld.idx.msk [tilespmem:v7+s22+$0x1A0 ss:$0x1], $0xffff;
	v11 =	vmax.f32 v11, v21  }
0x5f: {  	v27 =	vld.idx.msk [tilespmem:v7+s22+$0x1B0 ss:$0x1], $0xffff;
	v11 =	vmax.f32 v11, v22  }
0x60: {  	v28 =	vld.idx.msk [tilespmem:v7+s22+$0x1C0 ss:$0x1], $0xffff;
	v11 =	vmax.f32 v11, v23  }
0x61: {  	v29 =	vld.idx.msk [tilespmem:v7+s22+$0x1D0 ss:$0x1], $0xffff;
	v11 =	vmax.f32 v11, v24  }
0x62: {  	v30 =	vld.idx.msk [tilespmem:v7+s22+$0x1E0 ss:$0x1], $0xffff;
	v11 =	vmax.f32 v11, v25  }
0x63: {  	v31 =	vld.idx.msk [tilespmem:v7+s22+$0x1F0 ss:$0x1], $0xffff;
	v11 =	vmax.f32 v11, v26  }
0x64: {  	v32 =	vld.idx.msk [tilespmem:v7+s22+$0x200 ss:$0x1], $0xffff;
	v11 =	vmax.f32 v11, v27  }
0x65: {  	v33 =	vld.idx.msk [tilespmem:v7+s22+$0x210 ss:$0x1], $0xffff;
	v11 =	vmax.f32 v11, v28  }
0x66: {  	v34 =	vld.idx.msk [tilespmem:v7+s22+$0x220 ss:$0x1], $0xffff;
	v11 =	vmax.f32 v11, v29  }
0x67: {  	v35 =	vld.idx.msk [tilespmem:v7+s22+$0x230 ss:$0x1], $0xffff;
	v11 =	vmax.f32 v11, v30  }
0x68: {  	v36 =	vld.idx.msk [tilespmem:v7+s22+$0x240 ss:$0x1], $0xffff;
	v11 =	vmax.f32 v11, v31  }
0x69: {  	v37 =	vld.idx.msk [tilespmem:v7+s22+$0x250 ss:$0x1], $0xffff;
	v11 =	vmax.f32 v11, v32  }
0x6a: {  	v38 =	vld.idx.msk [tilespmem:v7+s22+$0x260 ss:$0x1], $0xffff;
	v11 =	vmax.f32 v11, v33  }
0x6b: {  	v39 =	vld.idx.msk [tilespmem:v7+s22+$0x270 ss:$0x1], $0xffff;
	v11 =	vmax.f32 v11, v34  }
0x6c: {  	v40 =	vld.idx.msk [tilespmem:v7+s22+$0x280 ss:$0x1], $0xffff;
	v11 =	vmax.f32 v11, v35  }
0x6d: {  	v41 =	vld.idx.msk [tilespmem:v7+s22+$0x290 ss:$0x1], $0xffff;
	v11 =	vmax.f32 v11, v36  }
0x6e: {  	v42 =	vld.idx.msk [tilespmem:v7+s22+$0x2A0 ss:$0x1], $0xffff;
	v11 =	vmax.f32 v11, v37  }
0x6f: {  	v43 =	vld.idx.msk [tilespmem:v7+s22+$0x2B0 ss:$0x1], $0xffff;
	v11 =	vmax.f32 v11, v38  }
0x70: {  	v44 =	vld.idx.msk [tilespmem:v7+s22+$0x2C0 ss:$0x1], $0xffff;
	v11 =	vmax.f32 v11, v39  }
0x71: {  	v45 =	vld.idx.msk [tilespmem:v7+s22+$0x2D0 ss:$0x1], $0xffff;
	v11 =	vmax.f32 v11, v40  }
0x72: {  	v46 =	vld.idx.msk [tilespmem:v7+s22+$0x2E0 ss:$0x1], $0xffff;
	v11 =	vmax.f32 v11, v41  }
0x73: {  	v47 =	vld.idx.msk [tilespmem:v7+s22+$0x2F0 ss:$0x1], $0xffff;
	v11 =	vmax.f32 v11, v42  }
0x74: {  	v48 =	vld.idx.msk [tilespmem:v7+s22+$0x300 ss:$0x1], $0xffff;
	v11 =	vmax.f32 v11, v43  }
0x75: {  	v49 =	vld.idx.msk [tilespmem:v7+s22+$0x310 ss:$0x1], $0xffff;
	v11 =	vmax.f32 v11, v44  }
0x76: {  	v50 =	vld.idx.msk [tilespmem:v7+s22+$0x320 ss:$0x1], $0xffff;
	v11 =	vmax.f32 v11, v45  }
0x77: {  	v51 =	vld.idx.msk [tilespmem:v7+s22+$0x330 ss:$0x1], $0xffff;
	v11 =	vmax.f32 v11, v46  }
0x78: {  	v52 =	vld.idx.msk [tilespmem:v7+s22+$0x340 ss:$0x1], $0xffff;
	v11 =	vmax.f32 v11, v47  }
0x79: {  	v53 =	vld.idx.msk [tilespmem:v7+s22+$0x350 ss:$0x1], $0xffff;
	v11 =	vmax.f32 v11, v48  }
0x7a: {  	v54 =	vld.idx.msk [tilespmem:v7+s22+$0x360 ss:$0x1], $0xffff;
	v11 =	vmax.f32 v11, v49  }
0x7b: {  	v55 =	vld.idx.msk [tilespmem:v7+s22+$0x370 ss:$0x1], $0xffff;
	v11 =	vmax.f32 v11, v50  }
0x7c: {  	v56 =	vld.idx.msk [tilespmem:v7+s22+$0x380 ss:$0x1], $0xffff;
	v11 =	vmax.f32 v11, v51  }
0x7d: {  	v57 =	vld.idx.msk [tilespmem:v7+s22+$0x390 ss:$0x1], $0xffff;
	v11 =	vmax.f32 v11, v52  }
0x7e: {  	v58 =	vld.idx.msk [tilespmem:v7+s22+$0x3A0 ss:$0x1], $0xffff;
	v11 =	vmax.f32 v11, v53  }
0x7f: {  	v59 =	vld.idx.msk [tilespmem:v7+s22+$0x3B0 ss:$0x1], $0xffff;
	v11 =	vmax.f32 v11, v54  }
0x80: {  	v60 =	vld.idx.msk [tilespmem:v7+s22+$0x3C0 ss:$0x1], $0xffff;
	v11 =	vmax.f32 v11, v55  }
0x81: {  	v61 =	vld.idx.msk [tilespmem:v7+s22+$0x3D0 ss:$0x1], $0xffff;
	v11 =	vmax.f32 v11, v56  }
0x82: {  	v62 =	vld.idx.msk [tilespmem:v7+s22+$0x3E0 ss:$0x1], $0xffff;
	v11 =	vmax.f32 v11, v57  }
0x83: {  	v63 =	vld.idx.msk [tilespmem:v7+s22+$0x3F0 ss:$0x1], $0xffff;
	v11 =	vmax.f32 v11, v58  }
0x84: {  	v11 =	vmax.f32 v11, v59  }
0x85: {  	v11 =	vmax.f32 v11, v60  }
0x86: {  	v11 =	vmax.f32 v11, v61  }
0x87: {  	v11 =	vmax.f32 v11, v62  }
0x88: {  	v11 =	vmax.f32 v11, v63  }
0x89: {  	vm0 =	vgt.f32 v11, v10  }
0x8a: {  	v11 =	vsel vm0, $0x3F800000, v2  }
0x8b: {  	(xrf0) =	vmax.scan.msk.f32 $0xffff, v11;
	_ =	sdelay $0x5  }
0x8c: {  	v11, _, _ =	vpop (xrf0)  }
0x8d: {  	(v2sf) =	vpush v11, $0xF;
	_ =	sdelay $0xe  }
0x8e: {  	s23 =	spop (v2sf)  }
0x8f: {  	p2 =	sgt.f32 s23, $0.0e+00  }
.Ltmp8:
0x90: {  	_ = 	snop;
	(pc) =	sbr.rel @!p2 .LBB2_11-.Ltmp8, $4  }
.Ltmp9:
0x91: {  	_ = 	snop;
	(pc) =	sbr.rel @p2 .LBB2_6-.Ltmp9, $4  }
0x92: {  	_ = 	snop  }
0x93: {  	s24 =	smov.u32 s19  }
0x94: {  	s25 =	smov.u32 s20;
	s26 =	simm.s32 $0x0;
	s23 =	simm.s32 $0x0  }
0x95: {  	_ = 	snop  }
.LBB2_10:
0x96: {  	s26 =	sadd.s32 $0x1, s26  }
0x97: {  	p2 =	sne.s32 s26, $0x8  }
.Ltmp10:
0x98: {  	_ = 	snop;
	(pc) =	sbr.rel @!p2 .LBB2_11-.Ltmp10, $2  }
0x99: {  	_ =	sdelay $0x2  }
0x9a: {  	s25 =	sadd.s32 $0x80, s25;
	s24 =	sadd.s32 $0x80, s24  }
.LBB2_6:
0x9b: {  	_ =	sdelay $0x1  }
0x9c: {  	s28 =	sshll.u32 s26, $0x7  }
0x9d: {  	s28 =	sadd.s32 s22, s28  }
0x9e: {  	v11 =	vld.idx.msk [tilespmem:v7+s28+$0x0 ss:$0x1], $0xffff  }
0x9f: {  	v12 =	vld.idx.msk [tilespmem:v7+s28+$0x10 ss:$0x1], $0xffff  }
0xa0: {  	v13 =	vld.idx.msk [tilespmem:v7+s28+$0x20 ss:$0x1], $0xffff  }
0xa1: {  	v14 =	vld.idx.msk [tilespmem:v7+s28+$0x30 ss:$0x1], $0xffff  }
0xa2: {  	v15 =	vld.idx.msk [tilespmem:v7+s28+$0x40 ss:$0x1], $0xffff  }
0xa3: {  	v16 =	vld.idx.msk [tilespmem:v7+s28+$0x50 ss:$0x1], $0xffff  }
0xa4: {  	v62 =	vld.idx.msk [tilespmem:v7+s28+$0x60 ss:$0x1], $0xffff;
	v11 =	vmax.f32 v11, v12  }
0xa5: {  	v63 =	vld.idx.msk [tilespmem:v7+s28+$0x70 ss:$0x1], $0xffff;
	v11 =	vmax.f32 v11, v13  }
0xa6: {  	v11 =	vmax.f32 v11, v14  }
0xa7: {  	v11 =	vmax.f32 v11, v15  }
0xa8: {  	v11 =	vmax.f32 v11, v16  }
0xa9: {  	v11 =	vmax.f32 v11, v62  }
0xaa: {  	v11 =	vmax.f32 v11, v63  }
0xab: {  	vm0 =	vgt.f32 v11, v10  }
0xac: {  	v11 =	vsel vm0, $0x3F800000, v2  }
0xad: {  	(xrf0) =	vmax.scan.msk.f32 $0xffff, v11;
	_ =	sdelay $0x5  }
0xae: {  	v11, _, _ =	vpop (xrf0)  }
0xaf: {  	(v2sf) =	vpush v11, $0xF;
	_ =	sdelay $0xe  }
0xb0: {  	s31 =	spop (v2sf)  }
0xb1: {  	p2 =	sgt.f32 s31, $0.0e+00  }
.Ltmp11:
0xb2: {  	_ = 	snop;
	(pc) =	sbr.rel @!p2 .LBB2_10-.Ltmp11, $1  }
0xb3: {  	_ =	sdelay $0x3  }
0xb4: {  	s28 =	sshra.s32 s23, $0x2  }
0xb5: {  	v10 =	vmov s25;
	s28 =	sadd.s32 s28, s24  }
0xb6: {  	v12 =	vshll.u32 v10, $0x8;
	v11 =	vld [tilespmem:s28+$0x0]  }
0xb7: {  	v13 =	vand.u32 $0x40000, v10;
	v10 =	vshrl.u32 v10, $0x3;
	v12 =	vand.u32 $0x38000, v12  }
0xb8: {  	v14 =	vor.u32 s25, v0;
	v10 =	vand.u32 $0x7F80, v10;
	v12 =	vor.u32 v13, v12  }
0xb9: {  	v56 =	vand.u32 $0x7F, v14;
	v10 =	vor.u32 v10, v12  }
0xba: {  	v10 =	vor.u32 v56, v10  }
0xbb: {  	(xrf1) =	vsort.ascd.msk.f32 $0xffff, v11, v10;
	_ =	sdelay $0x8  }
0xbc: {  	s28 =	sadd.s32 $0x40, s23  }
0xbd: {  	s31 =	sadd.s32 $0x10, s25;
	s29 =	sshra.s32 s28, $0x2  }
0xbe: {  	v57 =	vmov s31;
	s29 =	sadd.s32 s29, s24  }
0xbf: {  	v58 =	vshll.u32 v57, $0x8;
	v59 =	vld [tilespmem:s29+$0x0]  }
0xc0: {  	v60 =	vand.u32 $0x40000, v57;
	v11 =	vand.u32 $0x38000, v58;
	v10 =	vshrl.u32 v57, $0x3  }
0xc1: {  	v15 =	vor.u32 s31, v0;
	v11 =	vor.u32 v60, v11;
	v10 =	vand.u32 $0x7F80, v10;
	v62, v61, _ =	vpop (xrf1)  }
0xc2: {  	v15 =	vand.u32 $0x7F, v15;
	v10 =	vor.u32 v10, v11;
	v13 =	vperm.xlane v62, v3  }
0xc3: {  	v10 =	vor.u32 v15, v10;
	v63 =	vperm.xlane v61, v3  }
0xc4: {  	(xrf1) =	vsort.ascd.msk.f32 $0xffff, v59, v10;
	vm0 =	vge.f32 v8, v13  }
0xc5: {  	v8 =	vsel vm0, v8, v13;
	v9 =	vsel vm0, v9, v63  }
0xc6: {  	(xrf1) =	vsort.ascd.msk.f32 $0xffff, v8, v9;
	_ =	sdelay $0x6  }
0xc7: {  	s28 =	sadd.s32 $0x40, s28  }
0xc8: {  	s30 =	sshra.s32 s28, $0x2;
	s29 =	sadd.s32 $0x40, s28;
	s28 =	sadd.s32 $0x10, s31  }
.LBB2_8:
0xc9: {  	p2 =	sne.s32 s29, $0x1C0;
	s30 =	sadd.s32 s30, s24;
	v8 =	vmov s28  }
0xca: {  	v9 =	vld [tilespmem:s30+$0x0];
	v10 =	vshll.u32 v8, $0x8  }
0xcb: {  	v14 =	vand.u32 $0x40000, v8;
	v8 =	vshrl.u32 v8, $0x3;
	v10 =	vand.u32 $0x38000, v10  }
0xcc: {  	v15 =	vor.u32 s28, v0;
	v8 =	vand.u32 $0x7F80, v8;
	v10 =	vor.u32 v14, v10;
	v11, v13, _ =	vpop (xrf1)  }
0xcd: {  	v14 =	vand.u32 $0x7F, v15;
	v8 =	vor.u32 v8, v10;
	v10 =	vperm.xlane v11, v3  }
0xce: {  	v11 =	vperm.xlane v13, v3;
	v8 =	vor.u32 v14, v8;
	v12, v13, _ =	vpop (xrf1)  }
0xcf: {  	(xrf1) =	vsort.ascd.msk.f32 $0xffff, v9, v8;
	vm0 =	vge.f32 v12, v10  }
0xd0: {  	v8 =	vsel vm0, v12, v10;
	v9 =	vsel vm0, v13, v11  }
0xd1: {  	(xrf1) =	vsort.ascd.msk.f32 $0xffff, v8, v9;
	_ =	sdelay $0x3  }
.Ltmp12:
0xd2: {  	(pc) =	sbr.rel @p2 .LBB2_8-.Ltmp12, $2  }
0xd3: {  	_ =	sdelay $0x2  }
0xd4: {  	s28 =	sadd.s32 $0x10, s28;
	s30 =	sshra.s32 s29, $0x2;
	s29 =	sadd.s32 $0x40, s29  }
0xd5: {  	v8 =	vmov s28  }
0xd6: {  	s29 =	sadd.s32 s30, s24;
	v11 =	vand.u32 $0x40000, v8  }
0xd7: {  	v9 =	vld [tilespmem:s29+$0x0];
	v10 =	vshll.u32 v8, $0x8  }
0xd8: {  	v8 =	vshrl.u32 v8, $0x3;
	v10 =	vand.u32 $0x38000, v10  }
0xd9: {  	v12 =	vor.u32 s28, v0;
	v8 =	vand.u32 $0x7F80, v8;
	v10 =	vor.u32 v11, v10;
	v11, v13, _ =	vpop (xrf1)  }
0xda: {  	v12 =	vand.u32 $0x7F, v12;
	v8 =	vor.u32 v8, v10;
	v10 =	vperm.xlane v11, v3  }
0xdb: {  	v8 =	vor.u32 v12, v8;
	v11 =	vperm.xlane v13, v3;
	v62, v63, _ =	vpop (xrf1)  }
0xdc: {  	(xrf1) =	vsort.ascd.msk.f32 $0xffff, v9, v8;
	vm0 =	vge.f32 v62, v10  }
0xdd: {  	v8 =	vsel vm0, v62, v10;
	v9 =	vsel vm0, v63, v11  }
0xde: {  	(xrf1) =	vsort.ascd.msk.f32 $0xffff, v8, v9;
	_ =	sdelay $0xb  }
0xdf: {  	v8, v9, _ =	vpop (xrf1)  }
0xe0: {  	v8 =	vperm.xlane v8, v3  }
0xe1: {  	v9 =	vperm.xlane v9, v3;
	v10, v11, _ =	vpop (xrf1)  }
0xe2: {  	vm15 =	vge.f32 v10, v8  }
0xe3: {  	v8 =	vsel vm15, v10, v8;
	v9 =	vsel vm15, v11, v9  }
0xe4: {  	(xrf1) =	vsort.ascd.msk.f32 $0xffff, v8, v9;
	_ =	sdelay $0xd  }
0xe5: {  	v8, v9, _ =	vpop (xrf1)  }
0xe6: {  	(xrf0) =	vmin.scan.msk.f32 $0xffff, v8;
	_ =	sdelay $0x2  }
.Ltmp13:
0xe7: {  	_ = 	snop;
	(pc) =	sbr.rel .LBB2_10-.Ltmp13, $3  }
0xe8: {  	_ =	sdelay $0x1  }
0xe9: {  	v10, _, _ =	vpop (xrf0)  }
0xea: {  	v10 =	vbroadcast v10, $0xF  }
.LBB2_14:
0xeb: {  	_ =	sfence.sel $0x180000  }
0xec: {  	[bflag:$0x0] =	sbarrier.arrive $0xFFFF  }
0xed: {  	p0 =	sne.s32 s4, $0x0;
	_ =	strace $0x90000047  }
0xee: {  	s0 =	sadd.s32 @!p0 $0x100000, s0;
	[bflag:$0x2] =	sbarrier.arrive $0xFFFF  }
0xef: {  	[sflag:s0] =	ssyncadd.tile.s32 @!p0 $0x1;
	_ =	shalt  }
.Lfunc_end2:
_tile_overlayer_lowered:
.L_overlay_start_2:
0xf0: {  	(tag) =	ssettag $0x2  }
0xf1: {  	s0 =	rddreg [dreg:$0x0];
	s2 =	stileid.u32  }
0xf2: {  	s1 =	rddreg [dreg:$0x1];
	p0 =	sne.s32 s2, $0x0  }
0xf3: {  	s3 =	rddreg [dreg:$0x2];
	[bflag:$0x3] =	sbarrier.arrive $0xFFFF;
	s2 =	simm.s32 @!p0 $0x1C02  }
0xf4: {  	[timem:s3], [sflag:s2] =	dma.local @!p0 [hbm:s0], s1  }
0xf5: {  	s0 =	simm.s32 @!p0 $0x2  }
0xf6: {  	_ =	swait.ge @!p0 [sflag:s0], s1  }
0xf7: {  	s1 =	ssub.s32 @!p0 $0x0, s1;
	[sflag:s0] =	ssyncset.done @!p0 $0x0  }
0xf8: {  	[sflag:s0] =	ssyncadd.s32 @!p0 s1  }
0xf9: {  	[bflag:$0x3] =	sbarrier.arrive $0xFFFF  }
0xfa: {  	_ =	shalt  }

</sc_bundles>
